<compile_context>
chip_gen: v7x
topology: tpu7x:2x2x1
jax: 0.10.2.dev20260603
libtpu: 0.0.44.dev20260713+nightly
codegen_flags: <defaults>
</compile_context>

<pallas_src>
import functools

import jax
import jax.numpy as jnp
from jax import lax
from jax.experimental import pallas as pl
from jax.experimental.pallas import tpu as pltpu
from jax.experimental.pallas import tpu_sc as plsc

_N_ROIS = 268
_RATIO = 0.8
_MIN_NODES = 10

_NC = 2
_NS = 16
_NW = _NC * _NS
_GB = 120


def _gather_body(per_w, xt_hbm, idx_hbm, out_hbm, idx_v, rows_v, sem):
    wid = lax.axis_index("s") * _NC + lax.axis_index("c")

    def chunk(c, carry):
        base = wid * per_w + c * _GB
        pltpu.sync_copy(idx_hbm.at[pl.ds(base, _GB)], idx_v)
        pltpu.async_copy(xt_hbm.at[idx_v], rows_v, sem).wait()
        pltpu.sync_copy(rows_v, out_hbm.at[pl.ds(base, _GB)])
        return carry

    lax.fori_loop(0, per_w // _GB, chunk, 0)


def _sc_gather(table, idx):
    ep = idx.shape[0]
    d = table.shape[1]
    per_w = ep // _NW
    mesh = plsc.VectorSubcoreMesh(core_axis_name="c", subcore_axis_name="s",
                                  num_cores=_NC, num_subcores=_NS)
    fn = pl.kernel(
        functools.partial(_gather_body, per_w),
        out_type=jax.ShapeDtypeStruct((ep, d), table.dtype),
        mesh=mesh,
        scratch_types=[
            pltpu.VMEM((_GB,), jnp.int32),
            pltpu.VMEM((_GB, d), jnp.float32),
            pltpu.SemaphoreType.DMA,
        ],
    )
    return fn(table, idx)


def _msg_body(xj_ref, ea_ref, w_ref, b_ref, o_ref):
    z = ea_ref[...] * w_ref[...] + b_ref[...]
    o_ref[...] = xj_ref[...] * jax.nn.sigmoid(z)


def _msg_tc(x_j_pad, ea, ew_W, ew_b, m):
    d = x_j_pad.shape[1]
    bm = 1000
    return pl.pallas_call(
        _msg_body,
        grid=(m // bm,),
        in_specs=[pl.BlockSpec((bm, d), lambda i: (i, 0)),
                  pl.BlockSpec((bm, 1), lambda i: (i, 0)),
                  pl.BlockSpec((1, d), lambda i: (0, 0)),
                  pl.BlockSpec((1, d), lambda i: (0, 0))],
        out_specs=pl.BlockSpec((bm, d), lambda i: (i, 0)),
        out_shape=jax.ShapeDtypeStruct((m, d), jnp.float32),
    )(x_j_pad, ea, ew_W, ew_b.reshape(1, d))


def kernel(x, edge_index, edge_attr, batch, basis_kernels, roi_community,
           ew_W, ew_b, conv_bias, ln_g, ln_b, att_W1, att_b1, att_W2, att_b2):
    n = x.shape[0]
    d = x.shape[1]
    loop = jnp.arange(n, dtype=edge_index.dtype)
    ei = jnp.concatenate([edge_index, jnp.stack([loop, loop], axis=0)], axis=1)
    ea = jnp.concatenate([edge_attr, jnp.ones((n, 1), dtype=x.dtype)], axis=0)
    community_weights = jax.nn.softmax(roi_community, axis=-1)
    roi_kernels = jnp.einsum('rc,cio->rio', community_weights, basis_kernels)
    n_rep = -(-n // _N_ROIS)
    n_pad = n_rep * _N_ROIS
    x_pad = jnp.pad(x, ((0, n_pad - n), (0, 0)))
    xg = x_pad.reshape(n_rep, _N_ROIS, d).transpose(1, 0, 2)
    yg = jnp.einsum('rki,rio->rko', xg, roi_kernels)
    x_t = yg.transpose(1, 0, 2).reshape(n_pad, -1)[:n]

    src = ei[0]
    dst = ei[1]
    m = src.shape[0]
    m_pad = -(-m // (_NW * _GB)) * (_NW * _GB)
    pad_idx = (jnp.arange(m_pad - m, dtype=jnp.int32) % n)
    src_pad = jnp.concatenate([src, pad_idx])
    x_j_pad = _sc_gather(x_t, src_pad)
    msg = _msg_tc(x_j_pad, ea, ew_W, ew_b, m)
    out = jax.ops.segment_sum(msg, dst, num_segments=n)
    out = out + conv_bias
    out = jax.nn.elu(out)
    mu = jnp.mean(out, axis=-1, keepdims=True)
    var = jnp.var(out, axis=-1, keepdims=True)
    out = (out - mu) / jnp.sqrt(var + 1e-5) * ln_g + ln_b
    scores = (jnp.tanh(out @ att_W1 + att_b1) @ att_W2 + att_b2).squeeze(-1)
    k = max(int(n * _RATIO), _MIN_NODES)
    _, perm = jax.lax.top_k(scores, k)
    x_pooled = out[perm] * jax.nn.sigmoid(scores[perm])[:, None]
    batch_pooled = batch[perm]
    return (x_pooled, batch_pooled, scores, perm)

# --- scband reference (transcript-rebuilt; emitter-appended) ---
"""Pipeline reference for scband-brain-gnnblock-81784767250574 (READ-ONLY COPY).

The authoritative reference and input builder live on the scoring server;
editing this copy changes nothing except your own understanding.
"""

import jax, jax.numpy as jnp
import numpy as np

N = 10000
E = 320000
DIN = 128
DOUT = 128
N_ROIS = 268
N_COMM = 7
RATIO = 0.8
MIN_NODES = 10


def setup_inputs(seed: int = 0) -> dict:
    key = jax.random.key(seed)
    ks = jax.random.split(key, 16)
    x = jax.random.normal(ks[0], (N, DIN), dtype=jnp.float32)
    edge_index = jax.random.randint(ks[1], (2, E), 0, N, dtype=jnp.int32)
    edge_attr = jax.random.uniform(ks[2], (E, 1), dtype=jnp.float32)
    batch = jnp.zeros((N,), dtype=jnp.int32)
    # learned parameters
    basis_kernels = jax.random.normal(ks[3], (N_COMM, DIN, DOUT), dtype=jnp.float32) * (1.0 / np.sqrt(DIN))
    roi_community = jax.random.normal(ks[4], (N_ROIS, N_COMM), dtype=jnp.float32) * 0.1
    ew_W = jax.random.normal(ks[5], (1, DOUT), dtype=jnp.float32)
    ew_b = jnp.zeros((DOUT,), dtype=jnp.float32)
    conv_bias = jnp.zeros((DOUT,), dtype=jnp.float32)
    ln_g = jnp.ones((DOUT,), dtype=jnp.float32)
    ln_b = jnp.zeros((DOUT,), dtype=jnp.float32)
    att_W1 = jax.random.normal(ks[6], (DOUT, DOUT), dtype=jnp.float32) * (1.0 / np.sqrt(DOUT))
    att_b1 = jnp.zeros((DOUT,), dtype=jnp.float32)
    att_W2 = jax.random.normal(ks[7], (DOUT, 1), dtype=jnp.float32) * (1.0 / np.sqrt(DOUT))
    att_b2 = jnp.zeros((1,), dtype=jnp.float32)
    return {
        'x': x, 'edge_index': edge_index, 'edge_attr': edge_attr, 'batch': batch,
        'basis_kernels': basis_kernels, 'roi_community': roi_community,
        'ew_W': ew_W, 'ew_b': ew_b, 'conv_bias': conv_bias,
        'ln_g': ln_g, 'ln_b': ln_b,
        'att_W1': att_W1, 'att_b1': att_b1, 'att_W2': att_W2, 'att_b2': att_b2,
    }


def reference(x, edge_index, edge_attr, batch, basis_kernels, roi_community,
              ew_W, ew_b, conv_bias, ln_g, ln_b, att_W1, att_b1, att_W2, att_b2):
    n = x.shape[0]
    # add self loops with fill_value=1.0
    loop = jnp.arange(n, dtype=edge_index.dtype)
    ei = jnp.concatenate([edge_index, jnp.stack([loop, loop], axis=0)], axis=1)
    ea = jnp.concatenate([edge_attr, jnp.ones((n, 1), dtype=x.dtype)], axis=0)
    # ROI-aware kernels
    community_weights = jax.nn.softmax(roi_community, axis=-1)
    roi_kernels = jnp.einsum('rc,cio->rio', community_weights, basis_kernels)
    node_ids = jnp.arange(n) % N_ROIS
    node_kernels = roi_kernels[node_ids]               # gather (N, DIN, DOUT)
    x_t = jnp.einsum('ni,nio->no', x, node_kernels)    # per-node bmm
    # message passing: source_to_target, aggr=add
    src = ei[0]
    dst = ei[1]
    x_j = x_t[src]                                      # gather
    edge_w = jax.nn.sigmoid(ea @ ew_W + ew_b)           # (E+N, DOUT)
    msg = x_j * edge_w
    out = jax.ops.segment_sum(msg, dst, num_segments=n) # scatter-add
    out = out + conv_bias
    out = jax.nn.elu(out)
    mu = jnp.mean(out, axis=-1, keepdims=True)
    var = jnp.var(out, axis=-1, keepdims=True)
    out = (out - mu) / jnp.sqrt(var + 1e-5) * ln_g + ln_b
    # dropout: eval mode (identity)
    # R-pool (single graph, batch all zeros): k = clamp(N*ratio, min_nodes)
    scores = (jnp.tanh(out @ att_W1 + att_b1) @ att_W2 + att_b2).squeeze(-1)
    k = max(int(n * RATIO), MIN_NODES)
    _, perm = jax.lax.top_k(scores, k)
    x_pooled = out[perm] * jax.nn.sigmoid(scores[perm])[:, None]
    batch_pooled = batch[perm]
    return (x_pooled, batch_pooled, scores, perm)

if __name__ == "__main__":
    import jax
    _d = setup_inputs()
    print(jax.jit(kernel)(*tuple(_d.values())))

</pallas_src>

<mosaic_0001>
#map = affine_map<(d0, d1) -> (0, 0)>
#map1 = affine_map<(d0, d1) -> (0)>
module attributes {stable_mosaic.version = 14 : i64} {
  func.func @_gather_body(%arg0: i32, %arg1: i32, %arg2: memref<10000x128xf32, #tpu.memory_space<hbm>>, %arg3: memref<330240xi32, #tpu.memory_space<hbm>>, %arg4: memref<330240x128xf32, #tpu.memory_space<hbm>>, %arg5: memref<120xi32, #tpu.memory_space<vmem>>, %arg6: memref<120x128xf32, #tpu.memory_space<vmem>>, %arg7: memref<!tpu.dma_semaphore, #tpu.memory_space<semaphore_mem>>) attributes {dimension_semantics = [#tpu.dimension_semantics<core_parallel>, #tpu.dimension_semantics<subcore_parallel>], iteration_bounds = array<i64: 2, 16>, scalar_prefetch = 0 : i64, scratch_operands = 3 : i64, tpu.core_type = #tpu.core_type<sc_vector_subcore>, window_params = [{transform_indices = #map}, {transform_indices = #map1}, {transform_indices = #map}]} {
    %mul3A = arith.constant 2 : i32
    %mul3A_0 = arith.muli %arg1, %mul3A : i32
    %add3A = arith.addi %mul3A_0, %arg0 : i32
    %scan3A = arith.constant 0 : i32
    %scan3A_1 = arith.constant 0 : i32
    %scan3A_2 = arith.constant 86 : i32
    %scan3A_3 = arith.addi %scan3A_1, %scan3A_2 : i32
    %scan3A_4 = arith.constant 1 : i32
    scf.for %scan3A_6 = %scan3A_1 to %scan3A_3 step %scan3A_4  : i32 {
      %mul3A_7 = arith.constant 10320 : i32
      %mul3A_8 = arith.muli %add3A, %mul3A_7 : i32
      %mul3A_9 = arith.constant 120 : i32
      %mul3A_10 = arith.muli %scan3A_6, %mul3A_9 : i32
      %add3A_11 = arith.addi %mul3A_8, %mul3A_10 : i32
      "tpu.region"() ({
        %run_scoped3A = tpu.sem_alloc : memref<!tpu.dma_semaphore, #tpu.memory_space<semaphore_mem>>
        %dma_start3A_16 = tpu.memref_slice %arg3[%add3A_11] : memref<330240xi32, #tpu.memory_space<hbm>> -> memref<120xi32, #tpu.memory_space<hbm>>
        %dma_start3A_17 = tpu.memref_slice %arg3[%add3A_11] : memref<330240xi32, #tpu.memory_space<hbm>> -> memref<120xi32, #tpu.memory_space<hbm>>
        tpu.enqueue_dma source(%dma_start3A_17 : memref<120xi32, #tpu.memory_space<hbm>>) target(%arg5 : memref<120xi32, #tpu.memory_space<vmem>>) target_semaphore(%run_scoped3A : memref<!tpu.dma_semaphore, #tpu.memory_space<semaphore_mem>>)
        %dma_wait3A_18 = tpu.memref_slice %arg3[%add3A_11] : memref<330240xi32, #tpu.memory_space<hbm>> -> memref<120xi32, #tpu.memory_space<hbm>>
        %dma_wait3A_19 = tpu.memref_slice %arg3[%add3A_11] : memref<330240xi32, #tpu.memory_space<hbm>> -> memref<120xi32, #tpu.memory_space<hbm>>
        tpu.wait_dma2 semaphore(%run_scoped3A : memref<!tpu.dma_semaphore, #tpu.memory_space<semaphore_mem>>) src(%dma_wait3A_19 : memref<120xi32, #tpu.memory_space<hbm>>) dst(%arg5 : memref<120xi32, #tpu.memory_space<vmem>>)
        tpu.yield
      }) : () -> ()
      %dma_start3A = arith.constant 0 : i32
      %dma_start3A_12 = arith.constant 0 : i32
      %dma_start3A_13 = tpu.memref_slice %arg2[%dma_start3A, %dma_start3A_12] : memref<10000x128xf32, #tpu.memory_space<hbm>> -> memref<10000x128xf32, #tpu.memory_space<hbm>>
      tpu.enqueue_indirect_dma source(%dma_start3A_13 : memref<10000x128xf32, #tpu.memory_space<hbm>>) target(%arg6 : memref<120x128xf32, #tpu.memory_space<vmem>>) offsets(%arg5 : memref<120xi32, #tpu.memory_space<vmem>>) semaphore(%arg7 : memref<!tpu.dma_semaphore, #tpu.memory_space<semaphore_mem>>)
      %dma_wait3A = arith.constant 0 : i32
      %dma_wait3A_14 = arith.constant 0 : i32
      %dma_wait3A_15 = tpu.memref_slice %arg2[%dma_wait3A, %dma_wait3A_14] : memref<10000x128xf32, #tpu.memory_space<hbm>> -> memref<10000x128xf32, #tpu.memory_space<hbm>>
      tpu.wait_indirect_dma semaphore(%arg7 : memref<!tpu.dma_semaphore, #tpu.memory_space<semaphore_mem>>) src(%dma_wait3A_15 : memref<10000x128xf32, #tpu.memory_space<hbm>>) dst(%arg6 : memref<120x128xf32, #tpu.memory_space<vmem>>)
      "tpu.region"() ({
        %run_scoped3A = tpu.sem_alloc : memref<!tpu.dma_semaphore, #tpu.memory_space<semaphore_mem>>
        %dma_start3A_16 = arith.constant 0 : i32
        %dma_start3A_17 = tpu.memref_slice %arg4[%add3A_11, %dma_start3A_16] : memref<330240x128xf32, #tpu.memory_space<hbm>> -> memref<120x128xf32, #tpu.memory_space<hbm>>
        %dma_start3A_18 = arith.constant 0 : i32
        %dma_start3A_19 = tpu.memref_slice %arg4[%add3A_11, %dma_start3A_18] : memref<330240x128xf32, #tpu.memory_space<hbm>> -> memref<120x128xf32, #tpu.memory_space<hbm>>
        tpu.enqueue_dma source(%arg6 : memref<120x128xf32, #tpu.memory_space<vmem>>) target(%dma_start3A_19 : memref<120x128xf32, #tpu.memory_space<hbm>>) target_semaphore(%run_scoped3A : memref<!tpu.dma_semaphore, #tpu.memory_space<semaphore_mem>>)
        %dma_wait3A_20 = arith.constant 0 : i32
        %dma_wait3A_21 = tpu.memref_slice %arg4[%add3A_11, %dma_wait3A_20] : memref<330240x128xf32, #tpu.memory_space<hbm>> -> memref<120x128xf32, #tpu.memory_space<hbm>>
        %dma_wait3A_22 = arith.constant 0 : i32
        %dma_wait3A_23 = tpu.memref_slice %arg4[%add3A_11, %dma_wait3A_22] : memref<330240x128xf32, #tpu.memory_space<hbm>> -> memref<120x128xf32, #tpu.memory_space<hbm>>
        tpu.wait_dma2 semaphore(%run_scoped3A : memref<!tpu.dma_semaphore, #tpu.memory_space<semaphore_mem>>) src(%arg6 : memref<120x128xf32, #tpu.memory_space<vmem>>) dst(%dma_wait3A_23 : memref<120x128xf32, #tpu.memory_space<hbm>>)
        tpu.yield
      }) : () -> ()
    }
    %scan3A_5 = arith.constant 86 : i32
    return
  }
}

module attributes {stable_mosaic.version = 14 : i64} {
  func.func @_msg_body(%arg0: i32, %arg1: memref<1000x128xf32, #tpu.memory_space<vmem>>, %arg2: memref<1000x1xf32, #tpu.memory_space<vmem>>, %arg3: memref<1x128xf32, #tpu.memory_space<vmem>>, %arg4: memref<1x128xf32, #tpu.memory_space<vmem>>, %arg5: memref<1000x128xf32, #tpu.memory_space<vmem>>) attributes {dimension_semantics = [#tpu.dimension_semantics<arbitrary>], iteration_bounds = array<i64: 330>, scalar_prefetch = 0 : i64, scratch_operands = 0 : i64, tpu.core_type = #tpu.core_type<tc>, window_params = [{transform_indices = @transform_0, window_bounds = array<i64: 1000, 128>}, {transform_indices = @transform_1, window_bounds = array<i64: 1000, 1>}, {pipeline_mode = #tpu.pipeline_mode<synchronous>, transform_indices = @transform_2, window_bounds = array<i64: 1, 128>}, {pipeline_mode = #tpu.pipeline_mode<synchronous>, transform_indices = @transform_3, window_bounds = array<i64: 1, 128>}, {transform_indices = @transform_4, window_bounds = array<i64: 1000, 128>}]} {
    %get3A = arith.constant 0 : index
    %get3A_0 = arith.constant 0 : index
    %get3A_1 = vector.load %arg2[%get3A, %get3A_0] : memref<1000x1xf32, #tpu.memory_space<vmem>>, vector<1000x1xf32>
    %get3A_2 = arith.constant 0 : index
    %get3A_3 = arith.constant 0 : index
    %get3A_4 = vector.load %arg3[%get3A_2, %get3A_3] : memref<1x128xf32, #tpu.memory_space<vmem>>, vector<1x128xf32>
    %mul3A = vector.broadcast %get3A_1 : vector<1000x1xf32> to vector<1000x128xf32>
    %mul3A_5 = vector.broadcast %get3A_4 : vector<1x128xf32> to vector<1000x128xf32>
    %mul3A_6 = arith.mulf %mul3A, %mul3A_5 : vector<1000x128xf32>
    %get3A_7 = arith.constant 0 : index
    %get3A_8 = arith.constant 0 : index
    %get3A_9 = vector.load %arg4[%get3A_7, %get3A_8] : memref<1x128xf32, #tpu.memory_space<vmem>>, vector<1x128xf32>
    %add3A = vector.broadcast %get3A_9 : vector<1x128xf32> to vector<1000x128xf32>
    %add3A_10 = arith.addf %mul3A_6, %add3A : vector<1000x128xf32>
    %get3A_11 = arith.constant 0 : index
    %get3A_12 = arith.constant 0 : index
    %get3A_13 = vector.load %arg1[%get3A_11, %get3A_12] : memref<1000x128xf32, #tpu.memory_space<vmem>>, vector<1000x128xf32>
    %logistic3A = arith.negf %add3A_10 : vector<1000x128xf32>
    %logistic3A_14 = math.exp %logistic3A : vector<1000x128xf32>
    %logistic3A_15 = arith.constant 1.000000e+00 : f32
    %logistic3A_16 = vector.broadcast %logistic3A_15 : f32 to vector<1000x128xf32>
    %logistic3A_17 = arith.addf %logistic3A_16, %logistic3A_14 : vector<1000x128xf32>
    %logistic3A_18 = arith.divf %logistic3A_16, %logistic3A_17 : vector<1000x128xf32>
    %mul3A_19 = arith.mulf %get3A_13, %logistic3A_18 : vector<1000x128xf32>
    %swap3A = arith.constant 0 : index
    %swap3A_20 = arith.constant 0 : index
    %swap3A_21 = vector.load %arg5[%swap3A, %swap3A_20] : memref<1000x128xf32, #tpu.memory_space<vmem>>, vector<1000x128xf32>
    tpu.vector_store %arg5[%swap3A, %swap3A_20], %mul3A_19 {strides = array<i32>} : memref<1000x128xf32, #tpu.memory_space<vmem>>, vector<1000x128xf32>,
    return
  }
  func.func @transform_0(%arg0: i32) -> (i32, i32) {
    %c0_i32 = arith.constant 0 : i32
    %c0_i32_0 = arith.constant 0 : i32
    return %arg0, %c0_i32 : i32, i32
  }
  func.func @transform_1(%arg0: i32) -> (i32, i32) {
    %c0_i32 = arith.constant 0 : i32
    %c0_i32_0 = arith.constant 0 : i32
    return %arg0, %c0_i32 : i32, i32
  }
  func.func @transform_2(%arg0: i32) -> (i32, i32) {
    %c0_i32 = arith.constant 0 : i32
    %c0_i32_0 = arith.constant 0 : i32
    %c0_i32_1 = arith.constant 0 : i32
    return %c0_i32, %c0_i32_0 : i32, i32
  }
  func.func @transform_3(%arg0: i32) -> (i32, i32) {
    %c0_i32 = arith.constant 0 : i32
    %c0_i32_0 = arith.constant 0 : i32
    %c0_i32_1 = arith.constant 0 : i32
    return %c0_i32, %c0_i32_0 : i32, i32
  }
  func.func @transform_4(%arg0: i32) -> (i32, i32) {
    %c0_i32 = arith.constant 0 : i32
    %c0_i32_0 = arith.constant 0 : i32
    return %arg0, %c0_i32 : i32, i32
  }
}

</mosaic_0001>

<sc_bundles>
// kernel: gather_offload_async_start.1
scs
__scs_entry_jumppad:
0x0: {  	(pc) =	sbr.rel $0x88, $3  }
0x1: {  	(tag) =	ssettag $0x0;
	lr =	simm.s32 $0x1  }
0x2: {  	[smem:$0x3F92] =	sst lr;
	_ =	strace $0xD0000000  }
0x3: {  	_ = 	snop  }
0x4: {  	_ = 	snop  }
0x5: {  	_ = 	snop  }
0x6: {  	_ = 	snop  }
0x7: {  	_ = 	snop  }
__scs_overlays_trampoline_lowered:
0x8: {  	[smem:$0x3FA1] =	sst s0  }
0x9: {  	[smem:$0x3FA2] =	sst s1  }
0xa: {  	[smem:$0x3FA3] =	sst s2  }
0xb: {  	[smem:$0x3FA4] =	sst s3  }
0xc: {  	[smem:$0x3FA5] =	sst s4  }
0xd: {  	[smem:$0x3FA6] =	sst s5  }
0xe: {  	[smem:$0x3FA7] =	sst s6  }
0xf: {  	[smem:$0x3FA8] =	sst s7  }
0x10: {  	[smem:$0x3FA9] =	sst s8  }
0x11: {  	[smem:$0x3FAA] =	sst s9;
	s0 =	simm.s32 @!p0 $0x0  }
0x12: {  	s1 =	sld [smem:$0x3F90];
	s0 =	simm.s32 @p0 $0x1  }
0x13: {  	[smem:$0x3FAB] =	sst s0;
	s0 =	simm.s32 @!p1 $0x0  }
0x14: {  	s2 =	sld [smem:$0x3F8F];
	s0 =	simm.s32 @p1 $0x1  }
0x15: {  	[smem:$0x3FAC] =	sst s0;
	s0 =	simm.s32 @!p2 $0x0  }
0x16: {  	s3 =	sld [smem:$0x3FDB];
	s0 =	simm.s32 @p2 $0x1  }
0x17: {  	s4 =	simm.s32 $0x1BF5;
	[smem:$0x3FAE] =	sst s0  }
0x18: {  	s0 =	sld [smem:$0x3F91];
	_ =	swait.ge [sflag:s4], $0x0  }
0x19: {  	s7 =	sld [smem:$0x3F92]  }
0x1a: {  	s8 =	sadd.s32 $0xFFFFE003, lr  }
0x1b: {  	s9 =	sadd.s32 $0xFFFFFEF7, lr;
	s5 =	simm.s32 $0xFFFFFFFF;
	p2 =	slt.u32 s8, $0xFFFFF086  }
0x1c: {  	p1 =	slt.u32 s9, $0xF7A;
	s5 =	simm.s32 @!p2 $0x0  }
0x1d: {  	s5 =	simm.s32 @p1 $0x1;
	p0 =	seq.s32 s7, s2  }
0x1e: {  	s7 =	smul.u32 @!p0 $0xF7A, s2;
	p2 =	seq.s32 @!p0 s5, $0x0  }
0x1f: {  	s9 =	smul.u32 $0xF7A, s1;
	s8 =	simm.s32 @!p0 $0x1BF5;
	p2 =	por !p2, p0  }
0x20: {  	[sflag:s8] =	ssyncset.s32 @!p0 $0xFFFFF086;
	s6 =	sadd.s32 @!p0 s3, s7;
	s7 =	simm.s32 @!p0 $0x108  }
0x21: {  	s3 =	sadd.s32 s3, s9;
	s6 =	sadd.s32 @!p0 $0x88, s6;
	s7 =	simm.s32 @p2 $0x1082  }
0x22: {  	[simem:s7], [sflag:s8] =	dma.local @!p0 [hbm:s6], $0xF7A  }
0x23: {  	s9 =	sor.u32 $0xD0000000, s2;
	s6 =	simm.s32 $0x108;
	_ =	swait.ge @!p0 [sflag:s8], $0x0  }
0x24: {  	s3 =	sadd.s32 $0x88, s3;
	s6 =	simm.s32 @!p1 $0x1082;
	[sflag:s4] =	ssyncset.s32 $0xFFFFF086  }
0x25: {  	[simem:s6], [sflag:s4] =	dma.local [hbm:s3], $0xF7A  }
0x26: {  	[smem:$0x3F92] =	sst s1;
	(tag) =	ssettag s2;
	_ =	strace s9  }
0x27: {  	s1 =	sld [smem:$0x3FA2]  }
0x28: {  	s2 =	sld [smem:$0x3FA3]  }
0x29: {  	s4 =	sld [smem:$0x3FA5]  }
0x2a: {  	p0 =	seq.s32 s5, $0x0;
	s5 =	sld [smem:$0x3FA6]  }
0x2b: {  	s6 =	sld [smem:$0x3FA7]  }
0x2c: {  	s7 =	sld [smem:$0x3FA8]  }
0x2d: {  	s3 =	simm.s32 $0x108;
	s8 =	sld [smem:$0x3FA9]  }
0x2e: {  	s3 =	simm.s32 @!p0 $0x1082;
	s9 =	sld [smem:$0x3FAA]  }
0x2f: {  	lr =	sadd.s32 s0, s3;
	s0 =	sld [smem:$0x3FA1]  }
0x30: {  	s3 =	sld [smem:$0x3FA4]  }
0x31: {  	[smem:$0x3FAD] =	sst s10  }
0x32: {  	s10 =	sld [smem:$0x3FAB];
	_ =	sdelay $0x3  }
0x33: {  	p0 =	seq.s32 s10, $0x1;
	s10 =	sld [smem:$0x3FAD];
	_ =	sdelay $0x3  }
0x34: {  	[smem:$0x3FAD] =	sst s10  }
0x35: {  	s10 =	sld [smem:$0x3FAC];
	_ =	sdelay $0x3  }
0x36: {  	p1 =	seq.s32 s10, $0x1;
	s10 =	sld [smem:$0x3FAD];
	_ =	sdelay $0x3  }
0x37: {  	[smem:$0x3FAD] =	sst s10  }
0x38: {  	s10 =	sld [smem:$0x3FAE]  }
0x39: {  	_ = 	snop;
	(pc) =	sbr.ind lr, $3  }
0x3a: {  	_ = 	snop  }
0x3b: {  	_ = 	snop  }
0x3c: {  	p2 =	seq.s32 s10, $0x1;
	s10 =	sld [smem:$0x3FAD]  }
0x3d: {  	_ =	shalt  }
0x3e: {  	_ =	shalt  }
0x3f: {  	_ =	shalt  }
0x40: {  	_ =	shalt  }
0x41: {  	_ =	shalt  }
0x42: {  	_ =	shalt  }
0x43: {  	_ =	shalt  }
0x44: {  	_ =	shalt  }
0x45: {  	_ =	shalt  }
0x46: {  	_ =	shalt  }
0x47: {  	_ =	shalt  }
0x48: {  	_ =	shalt  }
0x49: {  	_ =	shalt  }
0x4a: {  	_ =	shalt  }
0x4b: {  	_ =	shalt  }
0x4c: {  	_ =	shalt  }
0x4d: {  	_ =	shalt  }
0x4e: {  	_ =	shalt  }
0x4f: {  	_ =	shalt  }
0x50: {  	_ =	shalt  }
0x51: {  	_ =	shalt  }
0x52: {  	_ =	shalt  }
0x53: {  	_ =	shalt  }
0x54: {  	_ =	shalt  }
0x55: {  	_ =	shalt  }
0x56: {  	_ =	shalt  }
0x57: {  	_ =	shalt  }
0x58: {  	_ =	shalt  }
0x59: {  	_ =	shalt  }
0x5a: {  	_ =	shalt  }
0x5b: {  	_ =	shalt  }
0x5c: {  	_ =	shalt  }
0x5d: {  	_ =	shalt  }
0x5e: {  	_ =	shalt  }
0x5f: {  	_ =	shalt  }
0x60: {  	_ =	shalt  }
0x61: {  	_ =	shalt  }
0x62: {  	_ =	shalt  }
0x63: {  	_ =	shalt  }
0x64: {  	_ =	shalt  }
0x65: {  	_ =	shalt  }
0x66: {  	_ =	shalt  }
0x67: {  	_ =	shalt  }
0x68: {  	_ =	shalt  }
0x69: {  	_ =	shalt  }
0x6a: {  	_ =	shalt  }
0x6b: {  	_ =	shalt  }
0x6c: {  	_ =	shalt  }
0x6d: {  	_ =	shalt  }
0x6e: {  	_ =	shalt  }
0x6f: {  	_ =	shalt  }
0x70: {  	_ =	shalt  }
0x71: {  	_ =	shalt  }
0x72: {  	_ =	shalt  }
0x73: {  	_ =	shalt  }
0x74: {  	_ =	shalt  }
0x75: {  	_ =	shalt  }
0x76: {  	_ =	shalt  }
0x77: {  	_ =	shalt  }
0x78: {  	_ =	shalt  }
0x79: {  	_ =	shalt  }
0x7a: {  	_ =	shalt  }
0x7b: {  	_ =	shalt  }
0x7c: {  	_ =	shalt  }
0x7d: {  	_ =	shalt  }
0x7e: {  	_ =	shalt  }
0x7f: {  	_ =	shalt  }
0x80: {  	_ =	shalt  }
0x81: {  	_ =	shalt  }
0x82: {  	_ =	shalt  }
0x83: {  	_ =	shalt  }
0x84: {  	_ =	shalt  }
0x85: {  	_ =	shalt  }
0x86: {  	_ =	shalt  }
0x87: {  	_ =	shalt  }
.Lfunc_end0:
.L_simem_size_0:
called_computation.2_lowered:
.L_overlay_start_0:
0x88: {  	s2 =	sld [smem:$0x3FD9]  }
0x89: {  	s3 =	sld [smem:$0x3FFE];
	_ =	sdelay $0x1  }
0x8a: {  	s1 =	srdreg.scid  }
0x8b: {  	s0 =	sand.u32 $0x1, s1  }
0x8c: {  	s14 =	sshll.u32 s0, $0xA;
	s2 =	sadd.s32 s3, s2  }
0x8d: {  	s2 =	sadd.s32 s2, s14  }
0x8e: {  	[smem:$0x3FB9] =	sst s2  }
0x8f: {  	_ = 	snop  }
0x90: {  	s2 =	sld [smem:$0x3FD0];
	_ =	sdelay $0x2  }
0x91: {  	s15 =	simm.s32 $0xB;
	s4 =	simm.s32 $0x10  }
0x92: {  	[smem:s4], [sflag:s15] =	dma.local [hbm:s2], $0x1  }
0x93: {  	_ =	swait.eq [sflag:s15], $0x1  }
0x94: {  	[sflag:s15] =	ssyncset.done $0x0  }
0x95: {  	s16 =	sld [smem:$0x11];
	[sflag:s15] =	ssyncadd.s32 $0xFFFFFFFF  }
0x96: {  	s17 =	sld [smem:$0x12];
	(tm) =	ssettm $0x1  }
0x97: {  	s18 =	sld [smem:$0x3FFB];
	_ =	sdelay $0x3  }
0x98: {  	_ =	strace s18  }
0x99: {  	s4 =	sld [smem:$0x3FFC];
	_ =	sdelay $0x3  }
0x9a: {  	_ =	strace s4  }
0x9b: {  	s4 =	sld [smem:$0x3FFD];
	_ =	sdelay $0x3  }
0x9c: {  	_ =	strace s4  }
0x9d: {  	_ =	strace $0x8FFFFFFF  }
0x9e: {  	s19 =	sld [smem:$0x3FDB];
	_ =	sdelay $0x1  }
0x9f: {  	s5 =	simm.s32 $_scs_section_size  }
0xa0: {  	s6 =	simm.s32 $_size__tile_overlayer_lowered;
	s7 =	simm.s32 $_tile_overlayer_lowered  }
0xa1: {  	s22 =	simm.s32 $0x1BFF;
	s21 =	sshll.u32 s7, $0x1;
	s4 =	sadd.s32 s5, s19  }
0xa2: {  	s8 =	simm.s32 $0x0;
	s20 =	sshll.u32 s6, $0x1;
	s6 =	sadd.s32 s21, s4  }
0xa3: {  	[timem:s8], [sflag:s22] =	dma.local [hbm:s6], s20  }
0xa4: {  	_ =	swait.ge [sflag:s22], s20  }
0xa5: {  	s5 =	ssub.s32 $0x0, s20;
	[sflag:s22] =	ssyncset.done $0x0  }
0xa6: {  	[sflag:s22] =	ssyncadd.s32 s5;
	_ =	sdelay $0x1  }
0xa7: {  	s23 =	simm.s32 $0x1B8B  }
0xa8: {  	_ =	swait.ge [sflag:s23], $0x1  }
0xa9: {  	[sflag:s23] =	ssyncset.done $0x0  }
0xaa: {  	s25 =	simm.s32 $0x1B8E;
	s24 =	sld [smem:$0x3FFE];
	[sflag:s23] =	ssyncadd.s32 $0xFFFFFFFF  }
0xab: {  	s26 =	simm.s32 $execute0_lowered;
	[smem:$0x3FD2] =	sst s25  }
0xac: {  	s6 =	sshll.u32 s26, $0x1;
	_ =	strace $0x8000004C;
	[dreg:$0x1] =	wrdreg $0xFFFFFFFF  }
0xad: {  	s28 =	simm.s32 $_size_execute0_lowered;
	s4 =	sadd.s32 s4, s6;
	[dreg:$0x0] =	wrdreg $0x0  }
0xae: {  	s6 =	sshll.u32 s28, $0x1;
	[dreg:$0x2] =	wrdreg s4  }
0xaf: {  	[dreg:$0x3] =	wrdreg s6  }
0xb0: {  	[dreg:$0x4] =	wrdreg $0xC0  }
0xb1: {  	_ =	task [dreg:s8], $0x5FFFF  }
0xb2: {  	[dreg:$0x1] =	wrdreg $0xFFFFFFFF  }
0xb3: {  	[dreg:$0x0] =	wrdreg $0x60  }
0xb4: {  	[dreg:$0x2] =	wrdreg s17  }
0xb5: {  	[dreg:$0x3] =	wrdreg s24  }
0xb6: {  	[dreg:$0x4] =	wrdreg s16  }
0xb7: {  	[dreg:$0x5] =	wrdreg $0xA  }
0xb8: {  	_ =	task.clear_ibuf [dreg:s8], $0x6FFFF;
	_ =	strace $0x9000004C  }
0xb9: {  	s29 =	simm.s32 $0xA;
	_ =	strace $0x8000004E  }
0xba: {  	_ =	swait.ge [sflag:s29], $0x1  }
0xbb: {  	[sflag:s29] =	ssyncadd.s32 $0xFFFFFFFF  }
0xbc: {  	_ =	strace $0x9000004E  }
0xbd: {  	_ =	sfence  }
0xbe: {  	s30 =	sld [smem:$0x0];
	_ =	sdelay $0x2  }
0xbf: {  	s31 =	sshll.u32 s1, $0xD;
	s1 =	sshrl.u32 s1, $0x2  }
0xc0: {  	s3 =	sand.u32 $0x4000, s31;
	s1 =	sadd.s32 s1, s30  }
0xc1: {  	s0 =	sor.u32 s3, s0;
	s1 =	sshll.u32 s1, $0x11  }
0xc2: {  	s0 =	sor.u32 s1, s0  }
0xc3: {  	s0 =	sadd.s32 $0x8F2B, s0  }
0xc4: {  	[sflag:s0] =	ssyncadd.remote.s32 $0x1  }
0xc5: {  	_ =	sfence.sel $0xFFFF  }
0xc6: {  	[dreg:$0x0] =	wrdreg $0xFFFFFFFF;
	(pc) =	sbr.abs _section_cstart, $3  }
0xc7: {  	[dreg:$0x1] =	wrdreg $0xFFFFFFFF  }
0xc8: {  	_ =	task.clear_ibuf [dreg:s8], $0x2FFFF;
	_ =	strace $0x9FFFFFFF  }
0xc9: {  	(tm) =	ssettm $0x7FFFFFFF  }
tec
execute0_lowered:
.L_overlay_start_1:
0x0: {  	(tag) =	ssettag $0x1  }
0x1: {  	s2 =	rddreg [dreg:$0x0]  }
0x2: {  	s8 =	rddreg [dreg:$0x1]  }
0x3: {  	s0 =	stileid.u32;
	s1 =	srdreg.scid  }
0x4: {  	s3 =	rddreg [dreg:$0x2];
	s9 =	simm.s32 $0x1;
	s10 =	simm.s32 $0x3  }
0x5: {  	s13 =	simm.s32 $0x0;
	s4 =	sand.u32 $0x1, s1;
	s5 =	sshll.u32 s0, $0x1  }
0x6: {  	s12 =	simm.s32 $0x0;
	s1 =	rddreg [dreg:$0x3];
	s6 =	sor.u32 s5, s4  }
0x7: {  	_ =	strace $0x8000004D;
	s8 =	sadd.s32 $0x27200, s8;
	s4 =	smul.u32 $0xA0, s6  }
0x8: {  	s5 =	simm.s32 $0x1;
	p0 =	slt.u32 s6, $0x13;
	s6 =	simm.s32 $0x1400  }
.Ltmp0:
0x9: {  	s6 =	simm.s32 @!p0 $0x0;
	s7 =	ssub.s32 $0x1F40, s4;
	(pc) =	sbr.rel .LBB2_1-.Ltmp0, $4  }
0xa: {  	s9 =	simm.s32 @!p0 $0x0;
	p0 =	sne.s32 s7, s6;
	s7 =	simm.s32 $0x1  }
0xb: {  	[sflag:s5] =	ssyncpa.u1 $0x0;
	s6 =	simm.s32 $0x2;
	s7 =	simm.s32 @!p0 $0x0  }
0xc: {  	s11 =	smov.u32 s4;
	[sflag:s6] =	ssyncpa.u1 $0x0;
	s7 =	sadd.s32 s9, s7  }
0xd: {  	vm0 =	vmmov $0xffff;
	[sflag:s10] =	ssyncpa.u1 $0x0;
	s10 =	simm.s32 $0x0;
	s9 =	sadd.s32 $0x1, s7  }
.LBB2_4:
0xe: {  	v2 =	vnsel vm1, $0x0, v2  }
0xf: {  	vm1 =	vgt.s32 v0, $0x0;
	v2 =	vmin.u32 v2, $0x270F  }
0x10: {  	v0 =	vnsel vm1, $0x0, v0  }
0x11: {  	v0 =	vmin.u32 v0, $0x270F  }
0x12: {  	[tilespmem:s18], [sflag:$0x1] =	stream.indirect_vreg.gather [hbm4b:s2+s10], $0x1, v1, vm0, $0x4038;
	[tilespmem:$0x280] =	vst v63  }
0x13: {  	(ifvalue) =	ssetifvalue $0x7FFFFFFF  }
0x14: {  	[tilespmem:s15], [sflag:$0x1] =	stream.indirect_vreg.gather [hbm4b:s2+s10], $0x1, v2, vm0, $0x4038;
	[tilespmem:$0x280] =	vst v63  }
0x15: {  	s29 =	sadd.s32 $0x10, s15;
	(ifvalue) =	ssetifvalue $0x7FFFFFFF  }
0x16: {  	[tilespmem:s29], [sflag:$0x1] =	stream.indirect_vreg.gather [hbm4b:s2+s10], $0x1, v0, vm0, $0x4038;
	[tilespmem:$0x280] =	vst v63  }
0x17: {  	_ =	swait.ge [sflag:s5], $0xA0  }
0x18: {  	s30 =	sshrl.u32 s13, $0x3;
	[sflag:s5] =	ssyncset.done $0x0  }
0x19: {  	s31 =	sand.u32 $0x7, s13;
	s15 =	sadd.s32 s3, s30;
	[sflag:s5] =	ssyncadd.s32 $0xFFFFFF60  }
0x1a: {  	[hbm4b:s15+s31] =	stream.linear.scatter [tilespmem:s14], [sflag:$0x3], $0xA0, $0x38;
	[tilespmem:$0x280] =	vst v63  }
.LBB2_5:
0x1b: {  	s15 =	sadd.s32 $0x1400, s11  }
0x1c: {  	p1 =	sgt.s32 s15, $0x1F3F  }
0x1d: {  	s15 =	smov.u32 @p1 s4;
	p1 =	sne.s32 s12, s9  }
.Ltmp1:
0x1e: {  	p0 =	slt.u32 s12, $0x2;
	(pc) =	sbr.rel @!p1 .LBB2_6-.Ltmp1, $4  }
0x1f: {  	s14 =	simm.s32 @!p0 $0x3  }
0x20: {  	_ =	swait.ge @!p0 [sflag:s14], $0xA0  }
0x21: {  	s16 =	sadd.s32 $0x1, s12;
	s13 =	smov.u32 s11;
	[sflag:s14] =	ssyncset.done @!p0 $0x0  }
0x22: {  	s12 =	smov.u32 s16;
	s11 =	smov.u32 s15;
	[sflag:s14] =	ssyncadd.s32 @!p0 $0xFFFFFF60  }
.LBB2_1:
0x23: {  	p0 =	sge.u32 s12, s7  }
0x24: {  	s14 =	sxor.u32 @!p0 $0x1, s12  }
0x25: {  	s14 =	smul.u32 @!p0 $0x280, s14  }
0x26: {  	s31 =	sadd.s32 $0xFFFFFFFF, s12;
	s15 =	sshrl.u32 @!p0 s11, $0x3  }
0x27: {  	s16 =	sand.u32 @!p0 $0x7, s11;
	s15 =	sadd.s32 @!p0 s8, s15;
	s14 =	sshra.s32 @!p0 s14, $0x2  }
0x28: {  	[tilespmem:s14], [sflag:$0x2] =	stream.linear.gather @!p0 [hbm4b:s15+s16], $0xA0, $0x38;
	[tilespmem:$0x280] =	vst v63  }
0x29: {  	p0 =	sge.u32 s31, s7  }
.Ltmp2:
0x2a: {  	_ = 	snop;
	(pc) =	sbr.rel @p0 .LBB2_5-.Ltmp2, $1  }
0x2b: {  	_ =	sdelay $0x3  }
0x2c: {  	s14 =	sand.u32 $0x1, s12  }
0x2d: {  	_ =	swait.ge [sflag:s6], $0xA0;
	p0 =	seq.s32 s14, $0x1;
	s14 =	simm.s32 $0xA0  }
0x2e: {  	[sflag:s6] =	ssyncset.done $0x0;
	s14 =	simm.s32 @!p0 $0x0  }
0x2f: {  	[sflag:s6] =	ssyncadd.s32 $0xFFFFFF60;
	(ifvalue) =	ssetifvalue $0x7FFFFFFF;
	v0 =	vld.msk [tilespmem:s14+$0x0 ss:$0x1], $0xffff;
	_ =	sdelay $0x4  }
0x30: {  	s15 =	sadd.s32 $0x10, s14;
	vm1 =	vgt.s32 v0, $0x0  }
0x31: {  	v2 =	vld.msk [tilespmem:s15+$0x0 ss:$0x1], $0xffff;
	v1 =	vnsel vm1, $0x0, v0  }
0x32: {  	v1 =	vmin.u32 v1, $0x270F;
	_ =	sdelay $0x2  }
0x33: {  	s17 =	simm.s32 $0x20;
	s14 =	sor.u32 $0x140, s14;
	s16 =	sadd.s32 $0x10, s15  }
0x34: {  	s15 =	sadd.s32 $0x10, s14;
	s18 =	smov.u32 s14;
	v0 =	vld.msk [tilespmem:s16+$0x0 ss:$0x1], $0xffff;
	vm1 =	vgt.s32 v2, $0x0;
	(ifvalue) =	ssetifvalue $0x7FFFFFFF  }
.LBB2_3:
0x35: {  	[tilespmem:s18], [sflag:$0x1] =	stream.indirect_vreg.gather [hbm4b:s2+s10], $0x1, v1, vm0, $0x4038;
	[tilespmem:$0x280] =	vst v63  }
0x36: {  	s17 =	sadd.s32 $0x10, s17  }
0x37: {  	v2 =	vnsel vm1, $0x0, v2;
	p0 =	slt.u32 s17, $0x90  }
.Ltmp3:
0x38: {  	s18 =	smov.u32 s15;
	v1 =	vmin.u32 v2, $0x270F;
	(pc) =	sbr.rel @p0 .LBB2_3-.Ltmp3, $3  }
0x39: {  	_ =	sdelay $0x1  }
0x3a: {  	s16 =	sadd.s32 $0x10, s16  }
0x3b: {  	vm1 =	vgt.s32 v0, $0x0;
	s15 =	sadd.s32 $0x10, s15;
	v2 =	vmov v0;
	(ifvalue) =	ssetifvalue $0x7FFFFFFF;
	v0 =	vld.msk [tilespmem:s16+$0x0 ss:$0x1], $0xffff  }
.Ltmp4:
0x3c: {  	_ = 	snop;
	(pc) =	sbr.rel .LBB2_4-.Ltmp4, $1  }
0x3d: {  	_ =	sdelay $0x3  }
.LBB2_6:
0x3e: {  	_ =	sfence.sel $0x180000  }
0x3f: {  	s2 =	simm.s32 $0x2;
	[bflag:$0x0] =	sbarrier.arrive $0xFFFF  }
0x40: {  	s30 =	simm.s32 $0x3;
	[sflag:s2] =	ssyncpa.u1 $0x1  }
0x41: {  	s31 =	simm.s32 $0x1;
	[sflag:s30] =	ssyncpa.u1 $0x1  }
0x42: {  	[sflag:s31] =	ssyncpa.u1 $0x1  }
0x43: {  	p0 =	sne.s32 s0, $0x0;
	_ =	strace $0x9000004D  }
0x44: {  	s0 =	sadd.s32 @!p0 $0x100000, s1;
	[bflag:$0x2] =	sbarrier.arrive $0xFFFF  }
0x45: {  	[sflag:s0] =	ssyncadd.tile.s32 @!p0 $0x1;
	_ =	shalt  }
.Lfunc_end2:
_tile_overlayer_lowered:
.L_overlay_start_2:
0x46: {  	(tag) =	ssettag $0x2  }
0x47: {  	s0 =	rddreg [dreg:$0x0];
	s2 =	stileid.u32  }
0x48: {  	s1 =	rddreg [dreg:$0x1];
	p0 =	sne.s32 s2, $0x0  }
0x49: {  	s3 =	rddreg [dreg:$0x2];
	[bflag:$0x3] =	sbarrier.arrive $0xFFFF;
	s2 =	simm.s32 @!p0 $0x1C01  }
0x4a: {  	[timem:s3], [sflag:s2] =	dma.local @!p0 [hbm:s0], s1  }
0x4b: {  	s0 =	simm.s32 @!p0 $0x1  }
0x4c: {  	_ =	swait.ge @!p0 [sflag:s0], s1  }
0x4d: {  	s1 =	ssub.s32 @!p0 $0x0, s1;
	[sflag:s0] =	ssyncset.done @!p0 $0x0  }
0x4e: {  	[sflag:s0] =	ssyncadd.s32 @!p0 s1  }
0x4f: {  	[bflag:$0x3] =	sbarrier.arrive $0xFFFF  }
0x50: {  	_ =	shalt  }

// kernel: gather_offload_async_start.2
scs
__scs_entry_jumppad:
0x0: {  	(pc) =	sbr.rel $0x88, $3  }
0x1: {  	(tag) =	ssettag $0x0;
	lr =	simm.s32 $0x1  }
0x2: {  	[smem:$0x3F92] =	sst lr;
	_ =	strace $0xD0000000  }
0x3: {  	_ = 	snop  }
0x4: {  	_ = 	snop  }
0x5: {  	_ = 	snop  }
0x6: {  	_ = 	snop  }
0x7: {  	_ = 	snop  }
__scs_overlays_trampoline_lowered:
0x8: {  	[smem:$0x3FA1] =	sst s0  }
0x9: {  	[smem:$0x3FA2] =	sst s1  }
0xa: {  	[smem:$0x3FA3] =	sst s2  }
0xb: {  	[smem:$0x3FA4] =	sst s3  }
0xc: {  	[smem:$0x3FA5] =	sst s4  }
0xd: {  	[smem:$0x3FA6] =	sst s5  }
0xe: {  	[smem:$0x3FA7] =	sst s6  }
0xf: {  	[smem:$0x3FA8] =	sst s7  }
0x10: {  	[smem:$0x3FA9] =	sst s8  }
0x11: {  	[smem:$0x3FAA] =	sst s9;
	s0 =	simm.s32 @!p0 $0x0  }
0x12: {  	s1 =	sld [smem:$0x3F90];
	s0 =	simm.s32 @p0 $0x1  }
0x13: {  	[smem:$0x3FAB] =	sst s0;
	s0 =	simm.s32 @!p1 $0x0  }
0x14: {  	s2 =	sld [smem:$0x3F8F];
	s0 =	simm.s32 @p1 $0x1  }
0x15: {  	[smem:$0x3FAC] =	sst s0;
	s0 =	simm.s32 @!p2 $0x0  }
0x16: {  	s3 =	sld [smem:$0x3FDB];
	s0 =	simm.s32 @p2 $0x1  }
0x17: {  	s4 =	simm.s32 $0x1BF5;
	[smem:$0x3FAE] =	sst s0  }
0x18: {  	s0 =	sld [smem:$0x3F91];
	_ =	swait.ge [sflag:s4], $0x0  }
0x19: {  	s7 =	sld [smem:$0x3F92]  }
0x1a: {  	s8 =	sadd.s32 $0xFFFFE003, lr  }
0x1b: {  	s9 =	sadd.s32 $0xFFFFFEF7, lr;
	s5 =	simm.s32 $0xFFFFFFFF;
	p2 =	slt.u32 s8, $0xFFFFF086  }
0x1c: {  	p1 =	slt.u32 s9, $0xF7A;
	s5 =	simm.s32 @!p2 $0x0  }
0x1d: {  	s5 =	simm.s32 @p1 $0x1;
	p0 =	seq.s32 s7, s2  }
0x1e: {  	s7 =	smul.u32 @!p0 $0xF7A, s2;
	p2 =	seq.s32 @!p0 s5, $0x0  }
0x1f: {  	s9 =	smul.u32 $0xF7A, s1;
	s8 =	simm.s32 @!p0 $0x1BF5;
	p2 =	por !p2, p0  }
0x20: {  	[sflag:s8] =	ssyncset.s32 @!p0 $0xFFFFF086;
	s6 =	sadd.s32 @!p0 s3, s7;
	s7 =	simm.s32 @!p0 $0x108  }
0x21: {  	s3 =	sadd.s32 s3, s9;
	s6 =	sadd.s32 @!p0 $0x88, s6;
	s7 =	simm.s32 @p2 $0x1082  }
0x22: {  	[simem:s7], [sflag:s8] =	dma.local @!p0 [hbm:s6], $0xF7A  }
0x23: {  	s9 =	sor.u32 $0xD0000000, s2;
	s6 =	simm.s32 $0x108;
	_ =	swait.ge @!p0 [sflag:s8], $0x0  }
0x24: {  	s3 =	sadd.s32 $0x88, s3;
	s6 =	simm.s32 @!p1 $0x1082;
	[sflag:s4] =	ssyncset.s32 $0xFFFFF086  }
0x25: {  	[simem:s6], [sflag:s4] =	dma.local [hbm:s3], $0xF7A  }
0x26: {  	[smem:$0x3F92] =	sst s1;
	(tag) =	ssettag s2;
	_ =	strace s9  }
0x27: {  	s1 =	sld [smem:$0x3FA2]  }
0x28: {  	s2 =	sld [smem:$0x3FA3]  }
0x29: {  	s4 =	sld [smem:$0x3FA5]  }
0x2a: {  	p0 =	seq.s32 s5, $0x0;
	s5 =	sld [smem:$0x3FA6]  }
0x2b: {  	s6 =	sld [smem:$0x3FA7]  }
0x2c: {  	s7 =	sld [smem:$0x3FA8]  }
0x2d: {  	s3 =	simm.s32 $0x108;
	s8 =	sld [smem:$0x3FA9]  }
0x2e: {  	s3 =	simm.s32 @!p0 $0x1082;
	s9 =	sld [smem:$0x3FAA]  }
0x2f: {  	lr =	sadd.s32 s0, s3;
	s0 =	sld [smem:$0x3FA1]  }
0x30: {  	s3 =	sld [smem:$0x3FA4]  }
0x31: {  	[smem:$0x3FAD] =	sst s10  }
0x32: {  	s10 =	sld [smem:$0x3FAB];
	_ =	sdelay $0x3  }
0x33: {  	p0 =	seq.s32 s10, $0x1;
	s10 =	sld [smem:$0x3FAD];
	_ =	sdelay $0x3  }
0x34: {  	[smem:$0x3FAD] =	sst s10  }
0x35: {  	s10 =	sld [smem:$0x3FAC];
	_ =	sdelay $0x3  }
0x36: {  	p1 =	seq.s32 s10, $0x1;
	s10 =	sld [smem:$0x3FAD];
	_ =	sdelay $0x3  }
0x37: {  	[smem:$0x3FAD] =	sst s10  }
0x38: {  	s10 =	sld [smem:$0x3FAE]  }
0x39: {  	_ = 	snop;
	(pc) =	sbr.ind lr, $3  }
0x3a: {  	_ = 	snop  }
0x3b: {  	_ = 	snop  }
0x3c: {  	p2 =	seq.s32 s10, $0x1;
	s10 =	sld [smem:$0x3FAD]  }
0x3d: {  	_ =	shalt  }
0x3e: {  	_ =	shalt  }
0x3f: {  	_ =	shalt  }
0x40: {  	_ =	shalt  }
0x41: {  	_ =	shalt  }
0x42: {  	_ =	shalt  }
0x43: {  	_ =	shalt  }
0x44: {  	_ =	shalt  }
0x45: {  	_ =	shalt  }
0x46: {  	_ =	shalt  }
0x47: {  	_ =	shalt  }
0x48: {  	_ =	shalt  }
0x49: {  	_ =	shalt  }
0x4a: {  	_ =	shalt  }
0x4b: {  	_ =	shalt  }
0x4c: {  	_ =	shalt  }
0x4d: {  	_ =	shalt  }
0x4e: {  	_ =	shalt  }
0x4f: {  	_ =	shalt  }
0x50: {  	_ =	shalt  }
0x51: {  	_ =	shalt  }
0x52: {  	_ =	shalt  }
0x53: {  	_ =	shalt  }
0x54: {  	_ =	shalt  }
0x55: {  	_ =	shalt  }
0x56: {  	_ =	shalt  }
0x57: {  	_ =	shalt  }
0x58: {  	_ =	shalt  }
0x59: {  	_ =	shalt  }
0x5a: {  	_ =	shalt  }
0x5b: {  	_ =	shalt  }
0x5c: {  	_ =	shalt  }
0x5d: {  	_ =	shalt  }
0x5e: {  	_ =	shalt  }
0x5f: {  	_ =	shalt  }
0x60: {  	_ =	shalt  }
0x61: {  	_ =	shalt  }
0x62: {  	_ =	shalt  }
0x63: {  	_ =	shalt  }
0x64: {  	_ =	shalt  }
0x65: {  	_ =	shalt  }
0x66: {  	_ =	shalt  }
0x67: {  	_ =	shalt  }
0x68: {  	_ =	shalt  }
0x69: {  	_ =	shalt  }
0x6a: {  	_ =	shalt  }
0x6b: {  	_ =	shalt  }
0x6c: {  	_ =	shalt  }
0x6d: {  	_ =	shalt  }
0x6e: {  	_ =	shalt  }
0x6f: {  	_ =	shalt  }
0x70: {  	_ =	shalt  }
0x71: {  	_ =	shalt  }
0x72: {  	_ =	shalt  }
0x73: {  	_ =	shalt  }
0x74: {  	_ =	shalt  }
0x75: {  	_ =	shalt  }
0x76: {  	_ =	shalt  }
0x77: {  	_ =	shalt  }
0x78: {  	_ =	shalt  }
0x79: {  	_ =	shalt  }
0x7a: {  	_ =	shalt  }
0x7b: {  	_ =	shalt  }
0x7c: {  	_ =	shalt  }
0x7d: {  	_ =	shalt  }
0x7e: {  	_ =	shalt  }
0x7f: {  	_ =	shalt  }
0x80: {  	_ =	shalt  }
0x81: {  	_ =	shalt  }
0x82: {  	_ =	shalt  }
0x83: {  	_ =	shalt  }
0x84: {  	_ =	shalt  }
0x85: {  	_ =	shalt  }
0x86: {  	_ =	shalt  }
0x87: {  	_ =	shalt  }
.Lfunc_end0:
.L_simem_size_0:
called_computation.3_lowered:
.L_overlay_start_0:
0x88: {  	s2 =	sld [smem:$0x3FD9]  }
0x89: {  	s3 =	sld [smem:$0x3FFE];
	_ =	sdelay $0x1  }
0x8a: {  	s1 =	srdreg.scid  }
0x8b: {  	s0 =	sand.u32 $0x1, s1  }
0x8c: {  	s15 =	sshll.u32 s0, $0xA;
	s2 =	sadd.s32 s3, s2  }
0x8d: {  	s2 =	sadd.s32 s2, s15  }
0x8e: {  	[smem:$0x3FB9] =	sst s2  }
0x8f: {  	_ = 	snop  }
0x90: {  	s16 =	sld [smem:$0x3FD0];
	_ =	sdelay $0x2  }
0x91: {  	s4 =	simm.s32 $0xB;
	s5 =	simm.s32 $0x10;
	s2 =	sld [smem:$0x3FC6]  }
0x92: {  	[smem:s5], [sflag:s4] =	dma.local [hbm:s16], $0x1  }
0x93: {  	_ =	swait.eq [sflag:s4], $0x1  }
0x94: {  	[sflag:s4] =	ssyncset.done $0x0  }
0x95: {  	[sflag:s4] =	ssyncadd.s32 $0xFFFFFFFF  }
0x96: {  	s17 =	sld [smem:$0x11];
	(tm) =	ssettm $0x1  }
0x97: {  	s18 =	sld [smem:$0x3FFB];
	_ =	sdelay $0x3  }
0x98: {  	_ =	strace s18  }
0x99: {  	s3 =	sld [smem:$0x3FFC];
	_ =	sdelay $0x3  }
0x9a: {  	_ =	strace s3  }
0x9b: {  	s3 =	sld [smem:$0x3FFD];
	_ =	sdelay $0x3  }
0x9c: {  	_ =	strace s3  }
0x9d: {  	_ =	strace $0x8FFFFFFF  }
0x9e: {  	s19 =	sld [smem:$0x3FDB];
	_ =	sdelay $0x1  }
0x9f: {  	s20 =	simm.s32 $_scs_section_size  }
0xa0: {  	s6 =	simm.s32 $_size__tile_overlayer_lowered;
	s7 =	simm.s32 $_tile_overlayer_lowered  }
0xa1: {  	s8 =	simm.s32 $0x1BFF;
	s21 =	sshll.u32 s7, $0x1;
	s5 =	sadd.s32 s20, s19  }
0xa2: {  	s22 =	simm.s32 $0x0;
	s6 =	sshll.u32 s6, $0x1;
	s7 =	sadd.s32 s21, s5  }
0xa3: {  	[timem:s22], [sflag:s8] =	dma.local [hbm:s7], s6  }
0xa4: {  	_ =	swait.ge [sflag:s8], s6  }
0xa5: {  	s6 =	ssub.s32 $0x0, s6;
	[sflag:s8] =	ssyncset.done $0x0  }
0xa6: {  	[sflag:s8] =	ssyncadd.s32 s6;
	_ =	sdelay $0x1  }
0xa7: {  	s23 =	simm.s32 $0x1B8B  }
0xa8: {  	_ =	swait.ge [sflag:s23], $0x1  }
0xa9: {  	[sflag:s23] =	ssyncset.done $0x0  }
0xaa: {  	[sflag:s23] =	ssyncadd.s32 $0xFFFFFFFF  }
0xab: {  	s6 =	sld [smem:$0x0]  }
0xac: {  	s7 =	sand.u32 $0xFFFFFFFE, s1  }
0xad: {  	p0 =	sne.s32 s1, s7  }
0xae: {  	s7 =	sshll.u32 @p0 s7, $0xE  }
0xaf: {  	s7 =	sadd.s32 @p0 $0x11B8D, s7;
	s8 =	sshll.u32 @p0 s6, $0x11  }
0xb0: {  	s7 =	sor.u32 @p0 s8, s7  }
0xb1: {  	[sflag:s7] =	ssyncadd.remote.s32 @p0 $0x1;
	_ =	sdelay $0x1  }
0xb2: {  	s7 =	simm.s32 @p0 $0x1B8D  }
0xb3: {  	_ =	swait.eq @p0 [sflag:s7], $0x1  }
0xb4: {  	[sflag:s7] =	ssyncadd.s32 @p0 $0xFFFFFFFF  }
0xb5: {  	s8 =	sshll.u32 @!p0 s1, $0xE  }
0xb6: {  	s8 =	sor.u32 @!p0 $0x4000, s8;
	s7 =	simm.s32 @!p0 $0x1B8D  }
0xb7: {  	s6 =	sshll.u32 @!p0 s6, $0x11;
	s8 =	sadd.s32 @!p0 $0x11B8D, s8;
	_ =	swait.eq @!p0 [sflag:s7], $0x1  }
0xb8: {  	s6 =	sor.u32 @!p0 s6, s8;
	[sflag:s7] =	ssyncadd.s32 @!p0 $0xFFFFFFFF  }
0xb9: {  	s25 =	simm.s32 $0x1B8E;
	s24 =	sld [smem:$0x3FFE];
	[sflag:s6] =	ssyncadd.remote.s32 @!p0 $0x1  }
0xba: {  	s26 =	simm.s32 $execute0_lowered;
	[smem:$0x3FD2] =	sst s25  }
0xbb: {  	s7 =	sshll.u32 s26, $0x1;
	_ =	strace $0x80000052;
	[dreg:$0x1] =	wrdreg $0xFFFFFFFF  }
0xbc: {  	s28 =	simm.s32 $_size_execute0_lowered;
	s5 =	sadd.s32 s5, s7;
	[dreg:$0x0] =	wrdreg $0x0  }
0xbd: {  	s7 =	sshll.u32 s28, $0x1;
	[dreg:$0x2] =	wrdreg s5  }
0xbe: {  	[dreg:$0x3] =	wrdreg s7  }
0xbf: {  	[dreg:$0x4] =	wrdreg $0xC0  }
0xc0: {  	_ =	task [dreg:s22], $0x5FFFF  }
0xc1: {  	[dreg:$0x1] =	wrdreg $0xFFFFFFFF  }
0xc2: {  	[dreg:$0x0] =	wrdreg $0x60  }
0xc3: {  	[dreg:$0x2] =	wrdreg s2  }
0xc4: {  	[dreg:$0x3] =	wrdreg s24  }
0xc5: {  	[dreg:$0x4] =	wrdreg s17  }
0xc6: {  	[dreg:$0x5] =	wrdreg $0xA  }
0xc7: {  	_ =	task.clear_ibuf [dreg:s22], $0x6FFFF;
	_ =	strace $0x90000052  }
0xc8: {  	s29 =	simm.s32 $0xA;
	_ =	strace $0x80000054  }
0xc9: {  	_ =	swait.ge [sflag:s29], $0x1  }
0xca: {  	[sflag:s29] =	ssyncadd.s32 $0xFFFFFFFF  }
0xcb: {  	_ =	strace $0x90000054  }
0xcc: {  	_ =	sfence  }
0xcd: {  	s30 =	sld [smem:$0x0];
	_ =	sdelay $0x2  }
0xce: {  	s31 =	sshll.u32 s1, $0xD;
	s1 =	sshrl.u32 s1, $0x2  }
0xcf: {  	s4 =	sand.u32 $0x4000, s31;
	s1 =	sadd.s32 s1, s30  }
0xd0: {  	s0 =	sor.u32 s4, s0;
	s1 =	sshll.u32 s1, $0x11  }
0xd1: {  	s0 =	sor.u32 s1, s0  }
0xd2: {  	s0 =	sadd.s32 $0x8F2B, s0  }
0xd3: {  	[sflag:s0] =	ssyncadd.remote.s32 $0x1  }
0xd4: {  	_ =	sfence.sel $0xFFFF  }
0xd5: {  	[dreg:$0x0] =	wrdreg $0xFFFFFFFF;
	(pc) =	sbr.abs _section_cstart, $3  }
0xd6: {  	[dreg:$0x1] =	wrdreg $0xFFFFFFFF  }
0xd7: {  	_ =	task.clear_ibuf [dreg:s22], $0x2FFFF;
	_ =	strace $0x9FFFFFFF  }
0xd8: {  	(tm) =	ssettm $0x7FFFFFFF  }
0xd9: {  	_ =	shalt  }
tec
execute0_lowered:
.L_overlay_start_1:
0x0: {  	(tag) =	ssettag $0x1  }
0x1: {  	s2 =	rddreg [dreg:$0x0]  }
0x2: {  	s8 =	rddreg [dreg:$0x1]  }
0x3: {  	s0 =	stileid.u32;
	s1 =	srdreg.scid  }
0x4: {  	s3 =	rddreg [dreg:$0x2];
	s9 =	simm.s32 $0x1;
	s10 =	simm.s32 $0x3  }
0x5: {  	s13 =	simm.s32 $0x0;
	s4 =	sand.u32 $0x1, s1;
	s5 =	sshll.u32 s0, $0x1  }
0x6: {  	s12 =	simm.s32 $0x0;
	s1 =	rddreg [dreg:$0x3];
	s6 =	sor.u32 s5, s4  }
0x7: {  	_ =	strace $0x80000053;
	s8 =	sadd.s32 $0x27200, s8;
	s4 =	smul.u32 $0xA0, s6  }
0x8: {  	s5 =	simm.s32 $0x1;
	p0 =	slt.u32 s6, $0x13;
	s6 =	simm.s32 $0x1400  }
.Ltmp0:
0x9: {  	s6 =	simm.s32 @!p0 $0x0;
	s7 =	ssub.s32 $0x1F40, s4;
	(pc) =	sbr.rel .LBB2_1-.Ltmp0, $4  }
0xa: {  	s9 =	simm.s32 @!p0 $0x0;
	p0 =	sne.s32 s7, s6;
	s7 =	simm.s32 $0x1  }
0xb: {  	[sflag:s5] =	ssyncpa.u1 $0x0;
	s6 =	simm.s32 $0x2;
	s7 =	simm.s32 @!p0 $0x0  }
0xc: {  	s11 =	smov.u32 s4;
	[sflag:s6] =	ssyncpa.u1 $0x0;
	s7 =	sadd.s32 s9, s7  }
0xd: {  	vm0 =	vmmov $0xffff;
	[sflag:s10] =	ssyncpa.u1 $0x0;
	s10 =	simm.s32 $0x0;
	s9 =	sadd.s32 $0x1, s7  }
.LBB2_4:
0xe: {  	v2 =	vnsel vm1, $0x0, v2  }
0xf: {  	vm1 =	vgt.s32 v0, $0x0;
	v2 =	vmin.u32 v2, $0x270F  }
0x10: {  	v0 =	vnsel vm1, $0x0, v0  }
0x11: {  	v0 =	vmin.u32 v0, $0x270F  }
0x12: {  	[tilespmem:s18], [sflag:$0x1] =	stream.indirect_vreg.gather [hbm4b:s2+s10], $0x1, v1, vm0, $0x4038;
	[tilespmem:$0x280] =	vst v63  }
0x13: {  	(ifvalue) =	ssetifvalue $0x7FFFFFFF  }
0x14: {  	[tilespmem:s15], [sflag:$0x1] =	stream.indirect_vreg.gather [hbm4b:s2+s10], $0x1, v2, vm0, $0x4038;
	[tilespmem:$0x280] =	vst v63  }
0x15: {  	s29 =	sadd.s32 $0x10, s15;
	(ifvalue) =	ssetifvalue $0x7FFFFFFF  }
0x16: {  	[tilespmem:s29], [sflag:$0x1] =	stream.indirect_vreg.gather [hbm4b:s2+s10], $0x1, v0, vm0, $0x4038;
	[tilespmem:$0x280] =	vst v63  }
0x17: {  	_ =	swait.ge [sflag:s5], $0xA0  }
0x18: {  	s30 =	sshrl.u32 s13, $0x3;
	[sflag:s5] =	ssyncset.done $0x0  }
0x19: {  	s31 =	sand.u32 $0x7, s13;
	s15 =	sadd.s32 s3, s30;
	[sflag:s5] =	ssyncadd.s32 $0xFFFFFF60  }
0x1a: {  	[hbm4b:s15+s31] =	stream.linear.scatter [tilespmem:s14], [sflag:$0x3], $0xA0, $0x38;
	[tilespmem:$0x280] =	vst v63  }
.LBB2_5:
0x1b: {  	s15 =	sadd.s32 $0x1400, s11  }
0x1c: {  	p1 =	sgt.s32 s15, $0x1F3F  }
0x1d: {  	s15 =	smov.u32 @p1 s4;
	p1 =	sne.s32 s12, s9  }
.Ltmp1:
0x1e: {  	p0 =	slt.u32 s12, $0x2;
	(pc) =	sbr.rel @!p1 .LBB2_6-.Ltmp1, $4  }
0x1f: {  	s14 =	simm.s32 @!p0 $0x3  }
0x20: {  	_ =	swait.ge @!p0 [sflag:s14], $0xA0  }
0x21: {  	s16 =	sadd.s32 $0x1, s12;
	s13 =	smov.u32 s11;
	[sflag:s14] =	ssyncset.done @!p0 $0x0  }
0x22: {  	s12 =	smov.u32 s16;
	s11 =	smov.u32 s15;
	[sflag:s14] =	ssyncadd.s32 @!p0 $0xFFFFFF60  }
.LBB2_1:
0x23: {  	p0 =	sge.u32 s12, s7  }
0x24: {  	s14 =	sxor.u32 @!p0 $0x1, s12  }
0x25: {  	s14 =	smul.u32 @!p0 $0x280, s14  }
0x26: {  	s31 =	sadd.s32 $0xFFFFFFFF, s12;
	s15 =	sshrl.u32 @!p0 s11, $0x3  }
0x27: {  	s16 =	sand.u32 @!p0 $0x7, s11;
	s15 =	sadd.s32 @!p0 s8, s15;
	s14 =	sshra.s32 @!p0 s14, $0x2  }
0x28: {  	[tilespmem:s14], [sflag:$0x2] =	stream.linear.gather @!p0 [hbm4b:s15+s16], $0xA0, $0x38;
	[tilespmem:$0x280] =	vst v63  }
0x29: {  	p0 =	sge.u32 s31, s7  }
.Ltmp2:
0x2a: {  	_ = 	snop;
	(pc) =	sbr.rel @p0 .LBB2_5-.Ltmp2, $1  }
0x2b: {  	_ =	sdelay $0x3  }
0x2c: {  	s14 =	sand.u32 $0x1, s12  }
0x2d: {  	_ =	swait.ge [sflag:s6], $0xA0;
	p0 =	seq.s32 s14, $0x1;
	s14 =	simm.s32 $0xA0  }
0x2e: {  	[sflag:s6] =	ssyncset.done $0x0;
	s14 =	simm.s32 @!p0 $0x0  }
0x2f: {  	[sflag:s6] =	ssyncadd.s32 $0xFFFFFF60;
	(ifvalue) =	ssetifvalue $0x7FFFFFFF;
	v0 =	vld.msk [tilespmem:s14+$0x0 ss:$0x1], $0xffff;
	_ =	sdelay $0x4  }
0x30: {  	s15 =	sadd.s32 $0x10, s14;
	vm1 =	vgt.s32 v0, $0x0  }
0x31: {  	v2 =	vld.msk [tilespmem:s15+$0x0 ss:$0x1], $0xffff;
	v1 =	vnsel vm1, $0x0, v0  }
0x32: {  	v1 =	vmin.u32 v1, $0x270F;
	_ =	sdelay $0x2  }
0x33: {  	s17 =	simm.s32 $0x20;
	s14 =	sor.u32 $0x140, s14;
	s16 =	sadd.s32 $0x10, s15  }
0x34: {  	s15 =	sadd.s32 $0x10, s14;
	s18 =	smov.u32 s14;
	v0 =	vld.msk [tilespmem:s16+$0x0 ss:$0x1], $0xffff;
	vm1 =	vgt.s32 v2, $0x0;
	(ifvalue) =	ssetifvalue $0x7FFFFFFF  }
.LBB2_3:
0x35: {  	[tilespmem:s18], [sflag:$0x1] =	stream.indirect_vreg.gather [hbm4b:s2+s10], $0x1, v1, vm0, $0x4038;
	[tilespmem:$0x280] =	vst v63  }
0x36: {  	s17 =	sadd.s32 $0x10, s17  }
0x37: {  	v2 =	vnsel vm1, $0x0, v2;
	p0 =	slt.u32 s17, $0x90  }
.Ltmp3:
0x38: {  	s18 =	smov.u32 s15;
	v1 =	vmin.u32 v2, $0x270F;
	(pc) =	sbr.rel @p0 .LBB2_3-.Ltmp3, $3  }
0x39: {  	_ =	sdelay $0x1  }
0x3a: {  	s16 =	sadd.s32 $0x10, s16  }
0x3b: {  	vm1 =	vgt.s32 v0, $0x0;
	s15 =	sadd.s32 $0x10, s15;
	v2 =	vmov v0;
	(ifvalue) =	ssetifvalue $0x7FFFFFFF;
	v0 =	vld.msk [tilespmem:s16+$0x0 ss:$0x1], $0xffff  }
.Ltmp4:
0x3c: {  	_ = 	snop;
	(pc) =	sbr.rel .LBB2_4-.Ltmp4, $1  }
0x3d: {  	_ =	sdelay $0x3  }
.LBB2_6:
0x3e: {  	_ =	sfence.sel $0x180000  }
0x3f: {  	s2 =	simm.s32 $0x2;
	[bflag:$0x0] =	sbarrier.arrive $0xFFFF  }
0x40: {  	s30 =	simm.s32 $0x3;
	[sflag:s2] =	ssyncpa.u1 $0x1  }
0x41: {  	s31 =	simm.s32 $0x1;
	[sflag:s30] =	ssyncpa.u1 $0x1  }
0x42: {  	[sflag:s31] =	ssyncpa.u1 $0x1  }
0x43: {  	p0 =	sne.s32 s0, $0x0;
	_ =	strace $0x90000053  }
0x44: {  	s0 =	sadd.s32 @!p0 $0x100000, s1;
	[bflag:$0x2] =	sbarrier.arrive $0xFFFF  }
0x45: {  	[sflag:s0] =	ssyncadd.tile.s32 @!p0 $0x1;
	_ =	shalt  }
.Lfunc_end2:
_tile_overlayer_lowered:
.L_overlay_start_2:
0x46: {  	(tag) =	ssettag $0x2  }
0x47: {  	s0 =	rddreg [dreg:$0x0];
	s2 =	stileid.u32  }
0x48: {  	s1 =	rddreg [dreg:$0x1];
	p0 =	sne.s32 s2, $0x0  }
0x49: {  	s3 =	rddreg [dreg:$0x2];
	[bflag:$0x3] =	sbarrier.arrive $0xFFFF;
	s2 =	simm.s32 @!p0 $0x1C01  }
0x4a: {  	[timem:s3], [sflag:s2] =	dma.local @!p0 [hbm:s0], s1  }
0x4b: {  	s0 =	simm.s32 @!p0 $0x1  }
0x4c: {  	_ =	swait.ge @!p0 [sflag:s0], s1  }
0x4d: {  	s1 =	ssub.s32 @!p0 $0x0, s1;
	[sflag:s0] =	ssyncset.done @!p0 $0x0  }
0x4e: {  	[sflag:s0] =	ssyncadd.s32 @!p0 s1  }
0x4f: {  	[bflag:$0x3] =	sbarrier.arrive $0xFFFF  }
0x50: {  	_ =	shalt  }

// kernel: gather_offload_async_start
scs
__scs_entry_jumppad:
0x0: {  	(pc) =	sbr.rel $0x88, $3  }
0x1: {  	(tag) =	ssettag $0x0;
	lr =	simm.s32 $0x1  }
0x2: {  	[smem:$0x3F92] =	sst lr;
	_ =	strace $0xD0000000  }
0x3: {  	_ = 	snop  }
0x4: {  	_ = 	snop  }
0x5: {  	_ = 	snop  }
0x6: {  	_ = 	snop  }
0x7: {  	_ = 	snop  }
__scs_overlays_trampoline_lowered:
0x8: {  	[smem:$0x3FA1] =	sst s0  }
0x9: {  	[smem:$0x3FA2] =	sst s1  }
0xa: {  	[smem:$0x3FA3] =	sst s2  }
0xb: {  	[smem:$0x3FA4] =	sst s3  }
0xc: {  	[smem:$0x3FA5] =	sst s4  }
0xd: {  	[smem:$0x3FA6] =	sst s5  }
0xe: {  	[smem:$0x3FA7] =	sst s6  }
0xf: {  	[smem:$0x3FA8] =	sst s7  }
0x10: {  	[smem:$0x3FA9] =	sst s8  }
0x11: {  	[smem:$0x3FAA] =	sst s9;
	s0 =	simm.s32 @!p0 $0x0  }
0x12: {  	s1 =	sld [smem:$0x3F90];
	s0 =	simm.s32 @p0 $0x1  }
0x13: {  	[smem:$0x3FAB] =	sst s0;
	s0 =	simm.s32 @!p1 $0x0  }
0x14: {  	s2 =	sld [smem:$0x3F8F];
	s0 =	simm.s32 @p1 $0x1  }
0x15: {  	[smem:$0x3FAC] =	sst s0;
	s0 =	simm.s32 @!p2 $0x0  }
0x16: {  	s3 =	sld [smem:$0x3FDB];
	s0 =	simm.s32 @p2 $0x1  }
0x17: {  	s4 =	simm.s32 $0x1BF5;
	[smem:$0x3FAE] =	sst s0  }
0x18: {  	s0 =	sld [smem:$0x3F91];
	_ =	swait.ge [sflag:s4], $0x0  }
0x19: {  	s7 =	sld [smem:$0x3F92]  }
0x1a: {  	s8 =	sadd.s32 $0xFFFFE003, lr  }
0x1b: {  	s9 =	sadd.s32 $0xFFFFFEF7, lr;
	s5 =	simm.s32 $0xFFFFFFFF;
	p2 =	slt.u32 s8, $0xFFFFF086  }
0x1c: {  	p1 =	slt.u32 s9, $0xF7A;
	s5 =	simm.s32 @!p2 $0x0  }
0x1d: {  	s5 =	simm.s32 @p1 $0x1;
	p0 =	seq.s32 s7, s2  }
0x1e: {  	s7 =	smul.u32 @!p0 $0xF7A, s2;
	p2 =	seq.s32 @!p0 s5, $0x0  }
0x1f: {  	s9 =	smul.u32 $0xF7A, s1;
	s8 =	simm.s32 @!p0 $0x1BF5;
	p2 =	por !p2, p0  }
0x20: {  	[sflag:s8] =	ssyncset.s32 @!p0 $0xFFFFF086;
	s6 =	sadd.s32 @!p0 s3, s7;
	s7 =	simm.s32 @!p0 $0x108  }
0x21: {  	s3 =	sadd.s32 s3, s9;
	s6 =	sadd.s32 @!p0 $0x88, s6;
	s7 =	simm.s32 @p2 $0x1082  }
0x22: {  	[simem:s7], [sflag:s8] =	dma.local @!p0 [hbm:s6], $0xF7A  }
0x23: {  	s9 =	sor.u32 $0xD0000000, s2;
	s6 =	simm.s32 $0x108;
	_ =	swait.ge @!p0 [sflag:s8], $0x0  }
0x24: {  	s3 =	sadd.s32 $0x88, s3;
	s6 =	simm.s32 @!p1 $0x1082;
	[sflag:s4] =	ssyncset.s32 $0xFFFFF086  }
0x25: {  	[simem:s6], [sflag:s4] =	dma.local [hbm:s3], $0xF7A  }
0x26: {  	[smem:$0x3F92] =	sst s1;
	(tag) =	ssettag s2;
	_ =	strace s9  }
0x27: {  	s1 =	sld [smem:$0x3FA2]  }
0x28: {  	s2 =	sld [smem:$0x3FA3]  }
0x29: {  	s4 =	sld [smem:$0x3FA5]  }
0x2a: {  	p0 =	seq.s32 s5, $0x0;
	s5 =	sld [smem:$0x3FA6]  }
0x2b: {  	s6 =	sld [smem:$0x3FA7]  }
0x2c: {  	s7 =	sld [smem:$0x3FA8]  }
0x2d: {  	s3 =	simm.s32 $0x108;
	s8 =	sld [smem:$0x3FA9]  }
0x2e: {  	s3 =	simm.s32 @!p0 $0x1082;
	s9 =	sld [smem:$0x3FAA]  }
0x2f: {  	lr =	sadd.s32 s0, s3;
	s0 =	sld [smem:$0x3FA1]  }
0x30: {  	s3 =	sld [smem:$0x3FA4]  }
0x31: {  	[smem:$0x3FAD] =	sst s10  }
0x32: {  	s10 =	sld [smem:$0x3FAB];
	_ =	sdelay $0x3  }
0x33: {  	p0 =	seq.s32 s10, $0x1;
	s10 =	sld [smem:$0x3FAD];
	_ =	sdelay $0x3  }
0x34: {  	[smem:$0x3FAD] =	sst s10  }
0x35: {  	s10 =	sld [smem:$0x3FAC];
	_ =	sdelay $0x3  }
0x36: {  	p1 =	seq.s32 s10, $0x1;
	s10 =	sld [smem:$0x3FAD];
	_ =	sdelay $0x3  }
0x37: {  	[smem:$0x3FAD] =	sst s10  }
0x38: {  	s10 =	sld [smem:$0x3FAE]  }
0x39: {  	_ = 	snop;
	(pc) =	sbr.ind lr, $3  }
0x3a: {  	_ = 	snop  }
0x3b: {  	_ = 	snop  }
0x3c: {  	p2 =	seq.s32 s10, $0x1;
	s10 =	sld [smem:$0x3FAD]  }
0x3d: {  	_ =	shalt  }
0x3e: {  	_ =	shalt  }
0x3f: {  	_ =	shalt  }
0x40: {  	_ =	shalt  }
0x41: {  	_ =	shalt  }
0x42: {  	_ =	shalt  }
0x43: {  	_ =	shalt  }
0x44: {  	_ =	shalt  }
0x45: {  	_ =	shalt  }
0x46: {  	_ =	shalt  }
0x47: {  	_ =	shalt  }
0x48: {  	_ =	shalt  }
0x49: {  	_ =	shalt  }
0x4a: {  	_ =	shalt  }
0x4b: {  	_ =	shalt  }
0x4c: {  	_ =	shalt  }
0x4d: {  	_ =	shalt  }
0x4e: {  	_ =	shalt  }
0x4f: {  	_ =	shalt  }
0x50: {  	_ =	shalt  }
0x51: {  	_ =	shalt  }
0x52: {  	_ =	shalt  }
0x53: {  	_ =	shalt  }
0x54: {  	_ =	shalt  }
0x55: {  	_ =	shalt  }
0x56: {  	_ =	shalt  }
0x57: {  	_ =	shalt  }
0x58: {  	_ =	shalt  }
0x59: {  	_ =	shalt  }
0x5a: {  	_ =	shalt  }
0x5b: {  	_ =	shalt  }
0x5c: {  	_ =	shalt  }
0x5d: {  	_ =	shalt  }
0x5e: {  	_ =	shalt  }
0x5f: {  	_ =	shalt  }
0x60: {  	_ =	shalt  }
0x61: {  	_ =	shalt  }
0x62: {  	_ =	shalt  }
0x63: {  	_ =	shalt  }
0x64: {  	_ =	shalt  }
0x65: {  	_ =	shalt  }
0x66: {  	_ =	shalt  }
0x67: {  	_ =	shalt  }
0x68: {  	_ =	shalt  }
0x69: {  	_ =	shalt  }
0x6a: {  	_ =	shalt  }
0x6b: {  	_ =	shalt  }
0x6c: {  	_ =	shalt  }
0x6d: {  	_ =	shalt  }
0x6e: {  	_ =	shalt  }
0x6f: {  	_ =	shalt  }
0x70: {  	_ =	shalt  }
0x71: {  	_ =	shalt  }
0x72: {  	_ =	shalt  }
0x73: {  	_ =	shalt  }
0x74: {  	_ =	shalt  }
0x75: {  	_ =	shalt  }
0x76: {  	_ =	shalt  }
0x77: {  	_ =	shalt  }
0x78: {  	_ =	shalt  }
0x79: {  	_ =	shalt  }
0x7a: {  	_ =	shalt  }
0x7b: {  	_ =	shalt  }
0x7c: {  	_ =	shalt  }
0x7d: {  	_ =	shalt  }
0x7e: {  	_ =	shalt  }
0x7f: {  	_ =	shalt  }
0x80: {  	_ =	shalt  }
0x81: {  	_ =	shalt  }
0x82: {  	_ =	shalt  }
0x83: {  	_ =	shalt  }
0x84: {  	_ =	shalt  }
0x85: {  	_ =	shalt  }
0x86: {  	_ =	shalt  }
0x87: {  	_ =	shalt  }
.Lfunc_end0:
.L_simem_size_0:
called_computation.1_lowered:
.L_overlay_start_0:
0x88: {  	s2 =	sld [smem:$0x3FD9]  }
0x89: {  	s3 =	sld [smem:$0x3FFE];
	_ =	sdelay $0x1  }
0x8a: {  	s1 =	srdreg.scid  }
0x8b: {  	s0 =	sand.u32 $0x1, s1  }
0x8c: {  	s15 =	sshll.u32 s0, $0xA;
	s2 =	sadd.s32 s3, s2  }
0x8d: {  	s2 =	sadd.s32 s2, s15  }
0x8e: {  	[smem:$0x3FB9] =	sst s2  }
0x8f: {  	_ = 	snop  }
0x90: {  	s2 =	sld [smem:$0x3FD0];
	_ =	sdelay $0x2  }
0x91: {  	s16 =	simm.s32 $0xB;
	s4 =	simm.s32 $0x10  }
0x92: {  	[smem:s4], [sflag:s16] =	dma.local [hbm:s2], $0x1  }
0x93: {  	_ =	swait.eq [sflag:s16], $0x1  }
0x94: {  	[sflag:s16] =	ssyncset.done $0x0  }
0x95: {  	[sflag:s16] =	ssyncadd.s32 $0xFFFFFFFF  }
0x96: {  	s17 =	sld [smem:$0x10];
	(tm) =	ssettm $0x1  }
0x97: {  	s18 =	sld [smem:$0x3FFB];
	_ =	sdelay $0x3  }
0x98: {  	_ =	strace s18  }
0x99: {  	s2 =	sld [smem:$0x3FFC];
	_ =	sdelay $0x3  }
0x9a: {  	_ =	strace s2  }
0x9b: {  	s2 =	sld [smem:$0x3FFD];
	_ =	sdelay $0x3  }
0x9c: {  	_ =	strace s2  }
0x9d: {  	_ =	strace $0x8FFFFFFF  }
0x9e: {  	s19 =	sld [smem:$0x3FDB];
	_ =	sdelay $0x1  }
0x9f: {  	s20 =	simm.s32 $_scs_section_size  }
0xa0: {  	s5 =	simm.s32 $_size__tile_overlayer_lowered;
	s6 =	simm.s32 $_tile_overlayer_lowered  }
0xa1: {  	s7 =	simm.s32 $0x1BFF;
	s21 =	sshll.u32 s6, $0x1;
	s4 =	sadd.s32 s20, s19  }
0xa2: {  	s22 =	simm.s32 $0x0;
	s5 =	sshll.u32 s5, $0x1;
	s6 =	sadd.s32 s21, s4  }
0xa3: {  	[timem:s22], [sflag:s7] =	dma.local [hbm:s6], s5  }
0xa4: {  	_ =	swait.ge [sflag:s7], s5  }
0xa5: {  	s5 =	ssub.s32 $0x0, s5;
	[sflag:s7] =	ssyncset.done $0x0  }
0xa6: {  	[sflag:s7] =	ssyncadd.s32 s5;
	_ =	sdelay $0x1  }
0xa7: {  	s23 =	simm.s32 $0x1B8B  }
0xa8: {  	_ =	swait.ge [sflag:s23], $0x1  }
0xa9: {  	[sflag:s23] =	ssyncset.done $0x0  }
0xaa: {  	[sflag:s23] =	ssyncadd.s32 $0xFFFFFFFF  }
0xab: {  	s5 =	sld [smem:$0x0]  }
0xac: {  	s6 =	sand.u32 $0xFFFFFFFE, s1  }
0xad: {  	p0 =	sne.s32 s1, s6  }
0xae: {  	s6 =	sshll.u32 @p0 s6, $0xE  }
0xaf: {  	s6 =	sadd.s32 @p0 $0x11B8D, s6;
	s7 =	sshll.u32 @p0 s5, $0x11  }
0xb0: {  	s6 =	sor.u32 @p0 s7, s6  }
0xb1: {  	[sflag:s6] =	ssyncadd.remote.s32 @p0 $0x1;
	_ =	sdelay $0x1  }
0xb2: {  	s6 =	simm.s32 @p0 $0x1B8D  }
0xb3: {  	_ =	swait.eq @p0 [sflag:s6], $0x1  }
0xb4: {  	[sflag:s6] =	ssyncadd.s32 @p0 $0xFFFFFFFF  }
0xb5: {  	s7 =	sshll.u32 @!p0 s1, $0xE  }
0xb6: {  	s7 =	sor.u32 @!p0 $0x4000, s7;
	s6 =	simm.s32 @!p0 $0x1B8D  }
0xb7: {  	s5 =	sshll.u32 @!p0 s5, $0x11;
	s7 =	sadd.s32 @!p0 $0x11B8D, s7;
	_ =	swait.eq @!p0 [sflag:s6], $0x1  }
0xb8: {  	s5 =	sor.u32 @!p0 s5, s7;
	[sflag:s6] =	ssyncadd.s32 @!p0 $0xFFFFFFFF  }
0xb9: {  	s25 =	simm.s32 $0x1B8E;
	s24 =	sld [smem:$0x3FFE];
	[sflag:s5] =	ssyncadd.remote.s32 @!p0 $0x1  }
0xba: {  	s26 =	simm.s32 $execute0_lowered;
	[smem:$0x3FD2] =	sst s25  }
0xbb: {  	s6 =	sshll.u32 s26, $0x1;
	_ =	strace $0x8000004F;
	[dreg:$0x1] =	wrdreg $0xFFFFFFFF  }
0xbc: {  	s28 =	simm.s32 $_size_execute0_lowered;
	s4 =	sadd.s32 s4, s6;
	[dreg:$0x0] =	wrdreg $0x0  }
0xbd: {  	s6 =	sshll.u32 s28, $0x1;
	[dreg:$0x2] =	wrdreg s4  }
0xbe: {  	[dreg:$0x3] =	wrdreg s6  }
0xbf: {  	[dreg:$0x4] =	wrdreg $0xC0  }
0xc0: {  	_ =	task [dreg:s22], $0x5FFFF  }
0xc1: {  	[dreg:$0x1] =	wrdreg $0xFFFFFFFF  }
0xc2: {  	[dreg:$0x0] =	wrdreg $0x60  }
0xc3: {  	[dreg:$0x2] =	wrdreg s24  }
0xc4: {  	[dreg:$0x3] =	wrdreg s17  }
0xc5: {  	[dreg:$0x4] =	wrdreg $0x9  }
0xc6: {  	_ =	task.clear_ibuf [dreg:s22], $0x5FFFF;
	_ =	strace $0x9000004F  }
0xc7: {  	s29 =	simm.s32 $0x9;
	_ =	strace $0x80000051  }
0xc8: {  	_ =	swait.ge [sflag:s29], $0x1  }
0xc9: {  	[sflag:s29] =	ssyncadd.s32 $0xFFFFFFFF  }
0xca: {  	_ =	strace $0x90000051  }
0xcb: {  	_ =	sfence  }
0xcc: {  	s30 =	sld [smem:$0x0];
	_ =	sdelay $0x2  }
0xcd: {  	s31 =	sshll.u32 s1, $0xD;
	s1 =	sshrl.u32 s1, $0x2  }
0xce: {  	s4 =	sand.u32 $0x4000, s31;
	s1 =	sadd.s32 s1, s30  }
0xcf: {  	s0 =	sor.u32 s4, s0;
	s1 =	sshll.u32 s1, $0x11  }
0xd0: {  	s0 =	sor.u32 s1, s0  }
0xd1: {  	s0 =	sadd.s32 $0x8F2B, s0  }
0xd2: {  	[sflag:s0] =	ssyncadd.remote.s32 $0x1  }
0xd3: {  	_ =	sfence.sel $0xFFFF  }
0xd4: {  	[dreg:$0x0] =	wrdreg $0xFFFFFFFF;
	(pc) =	sbr.abs _section_cstart, $3  }
0xd5: {  	[dreg:$0x1] =	wrdreg $0xFFFFFFFF  }
0xd6: {  	_ =	task.clear_ibuf [dreg:s22], $0x2FFFF;
	_ =	strace $0x9FFFFFFF  }
0xd7: {  	(tm) =	ssettm $0x7FFFFFFF  }
tec
execute0_lowered:
.L_overlay_start_1:
0x0: {  	(tag) =	ssettag $0x1  }
0x1: {  	s0 =	srdreg.scid  }
0x2: {  	s1 =	sshll.u32 s0, $0x4  }
0x3: {  	s0 =	stileid.u32;
	s1 =	sand.u32 $0x10, s1  }
0x4: {  	s2 =	sor.u32 s0, s1  }
0x5: {  	s1 =	smin.u32 s2, $0x12  }
0x6: {  	s1 =	sadd.s32 s2, s1  }
0x7: {  	p0 =	slt.u32 s2, $0x12;
	s2 =	simm.s32 $0x140;
	s1 =	smul.u32 $0xA0, s1  }
0x8: {  	s2 =	simm.s32 @!p0 $0xA0  }
0x9: {  	s2 =	sadd.s32 s2, s1  }
0xa: {  	s3 =	smin.u32 s2, $0x1F40  }
0xb: {  	s7 =	ssub.s32 s3, s1  }
0xc: {  	p0 =	sgt.s32 s7, $0x0  }
0xd: {  	s7 =	simm.s32 @!p0 $0x0  }
0xe: {  	s4 =	rddreg [dreg:$0x0];
	s31 =	smul.u32 $0xCCCD, s7  }
0xf: {  	s5 =	rddreg [dreg:$0x1]  }
0x10: {  	s6 =	simm.s32 $0x1;
	s10 =	simm.s32 $0x3;
	s8 =	sshrl.u32 s31, $0x17  }
0x11: {  	s13 =	simm.s32 $0x0;
	s12 =	simm.s32 $0x0;
	s9 =	smul.u32 $0xA0, s8  }
.Ltmp0:
0x12: {  	s11 =	smov.u32 s1;
	s2 =	rddreg [dreg:$0x2];
	(pc) =	sbr.rel .LBB2_1-.Ltmp0, $4  }
0x13: {  	_ =	strace $0x80000050;
	p0 =	sne.s32 s7, s9;
	s9 =	simm.s32 $0x1  }
0x14: {  	[sflag:s6] =	ssyncpa.u1 $0x0;
	s7 =	simm.s32 $0x2;
	s9 =	simm.s32 @!p0 $0x0  }
0x15: {  	[sflag:s7] =	ssyncpa.u1 $0x0;
	p0 =	por $0x0, $0x0;
	s8 =	sadd.s32 s8, s9  }
0x16: {  	vm0 =	vmmov $0xff;
	vm1 =	vcmask $0x3F20;
	s9 =	sadd.s32 $0x27200, s4;
	[sflag:s10] =	ssyncpa.u1 $0x0;
	s10 =	sadd.s32 $0x1, s8  }
.LBB2_6:
0x17: {  	[hbm:s17] =	stream.linear.scatter [tilespmem:s14], [sflag:$0x3], $0x400, $0x38;
	[tilespmem:$0xA140] =	vst v63  }
.LBB2_7:
0x18: {  	s13 =	sadd.s32 $0xA0, s11  }
0x19: {  	s15 =	smov.u32 s1;
	p2 =	slt.s32 s13, s3  }
0x1a: {  	s15 =	smov.u32 @p2 s13;
	p2 =	sne.s32 s12, s10  }
.Ltmp1:
0x1b: {  	p1 =	slt.u32 s12, $0x2;
	(pc) =	sbr.rel @!p2 .LBB2_8-.Ltmp1, $4  }
0x1c: {  	s14 =	simm.s32 @!p1 $0x3  }
0x1d: {  	s16 =	sadd.s32 $0x1, s12;
	_ =	swait.ge @!p1 [sflag:s14], $0x5000  }
0x1e: {  	p0 =	por !p0, !p0;
	s13 =	smov.u32 s11;
	[sflag:s14] =	ssyncset.done @!p1 $0x0  }
0x1f: {  	s12 =	smov.u32 s16;
	s11 =	smov.u32 s15;
	[sflag:s14] =	ssyncadd.s32 @!p1 $0xFFFFB000  }
.LBB2_1:
0x20: {  	p1 =	sge.u32 s12, s8  }
0x21: {  	s14 =	sxor.u32 @!p1 $0xFFFFFFFF, s12  }
0x22: {  	s14 =	sand.u32 @!p1 $0x1, s14  }
0x23: {  	s14 =	smul.u32 @!p1 $0x280, s14  }
0x24: {  	s31 =	sadd.s32 $0xFFFFFFFF, s12;
	s15 =	sshrl.u32 @!p1 s11, $0x3  }
0x25: {  	s16 =	sand.u32 @!p1 $0x7, s11;
	s15 =	sadd.s32 @!p1 s9, s15;
	s14 =	sshrl.u32 @!p1 s14, $0x2  }
0x26: {  	[tilespmem:s14], [sflag:$0x2] =	stream.linear.gather @!p1 [hbm4b:s15+s16], $0xA0, $0x38;
	[tilespmem:$0xA140] =	vst v63  }
0x27: {  	p1 =	sge.u32 s31, s8  }
.Ltmp2:
0x28: {  	_ = 	snop;
	(pc) =	sbr.rel @p1 .LBB2_7-.Ltmp2, $1  }
0x29: {  	_ =	sdelay $0x3  }
0x2a: {  	s14 =	simm.s32 $0x1  }
0x2b: {  	s14 =	simm.s32 @!p0 $0x0  }
0x2c: {  	s15 =	smul.u32 $0x280, s14  }
0x2d: {  	_ =	swait.ge [sflag:s7], $0xA0  }
0x2e: {  	[sflag:s7] =	ssyncset.done $0x0;
	s16 =	sshrl.u32 s15, $0x2  }
0x2f: {  	[sflag:s7] =	ssyncadd.s32 $0xFFFFFF60;
	s15 =	sadd.s32 $0x0, s16  }
0x30: {  	v0 =	vld.msk [tilespmem:s15+$0x0 ss:$0x1], $0xffff;
	_ =	sdelay $0x4  }
0x31: {  	vm2 =	vgt.s32 v0, $0x0  }
0x32: {  	v0 =	vnsel vm2, $0x0, v0  }
0x33: {  	v0 =	vmin.u32 v0, $0x270F  }
0x34: {  	v0 =	vshll.u32 v0, $0x4  }
0x35: {  	s14 =	smul.u32 $0x14000, s14;
	_ =	sdelay $0x1  }
0x36: {  	s14 =	sshrl.u32 s14, $0x2  }
0x37: {  	s14 =	sor.u32 $0x140, s14  }
0x38: {  	[tilespmem:s14], [sflag:$0x1] =	stream.indirect_vreg.gather [hbm:s4], $0x80, v0, vm0, $0x38;
	[tilespmem:$0xA140] =	vst v63  }
0x39: {  	s17 =	sadd.s32 $0x10, s16;
	s15 =	sadd.s32 $0x400, s14  }
0x3a: {  	[tilespmem:s15], [sflag:$0x1] =	stream.indirect_vreg.gather [hbm:s4], $0x80, v0, vm1, $0x38;
	[tilespmem:$0xA140] =	vst v63  }
0x3b: {  	s18 =	simm.s32 $0x80;
	v0 =	vld.msk [tilespmem:s17+$0x0 ss:$0x1], $0xffff;
	s17 =	smov.u32 s14  }
.LBB2_3:
0x3c: {  	p1 =	sne.s32 s18, $0x240;
	_ =	sdelay $0x4  }
0x3d: {  	vm2 =	vgt.s32 v0, $0x0  }
0x3e: {  	v0 =	vnsel vm2, $0x0, v0  }
0x3f: {  	v0 =	vmin.u32 v0, $0x270F  }
0x40: {  	v0 =	vshll.u32 v0, $0x4;
	_ =	sdelay $0x3  }
.Ltmp3:
0x41: {  	s19 =	sshra.s32 s18, $0x2;
	s17 =	sadd.s32 $0x800, s17;
	(pc) =	sbr.rel @p1 .LBB2_3-.Ltmp3, $4  }
0x42: {  	[tilespmem:s17], [sflag:$0x1] =	stream.indirect_vreg.gather [hbm:s4], $0x80, v0, vm0, $0x38;
	[tilespmem:$0xA140] =	vst v63  }
0x43: {  	s19 =	sadd.s32 s19, s16;
	s20 =	sadd.s32 $0x400, s17  }
0x44: {  	[tilespmem:s20], [sflag:$0x1] =	stream.indirect_vreg.gather [hbm:s4], $0x80, v0, vm1, $0x38;
	[tilespmem:$0xA140] =	vst v63  }
0x45: {  	s18 =	sadd.s32 $0x40, s18;
	v0 =	vld.msk [tilespmem:s19+$0x0 ss:$0x1], $0xffff  }
0x46: {  	_ =	sdelay $0x3  }
0x47: {  	vm2 =	vgt.s32 v0, $0x0  }
0x48: {  	v0 =	vnsel vm2, $0x0, v0  }
0x49: {  	v0 =	vmin.u32 v0, $0x270F  }
0x4a: {  	v0 =	vshll.u32 v0, $0x4;
	_ =	sdelay $0x3  }
0x4b: {  	s16 =	sadd.s32 $0x800, s17  }
0x4c: {  	[tilespmem:s16], [sflag:$0x1] =	stream.indirect_vreg.gather [hbm:s4], $0x80, v0, vm0, $0x38;
	[tilespmem:$0xA140] =	vst v63  }
0x4d: {  	s16 =	sadd.s32 $0x400, s16  }
0x4e: {  	[tilespmem:s16], [sflag:$0x1] =	stream.indirect_vreg.gather [hbm:s4], $0x80, v0, vm1, $0x38;
	[tilespmem:$0xA140] =	vst v63  }
0x4f: {  	s13 =	sshll.u32 s13, $0x4;
	_ =	swait.ge [sflag:s6], $0x5000  }
0x50: {  	s13 =	sadd.s32 s13, s5;
	[sflag:s6] =	ssyncset.done $0x0  }
0x51: {  	s17 =	sadd.s32 $0x0, s13;
	s16 =	simm.s32 $0x80;
	[sflag:s6] =	ssyncadd.s32 $0xFFFFB000  }
.LBB2_5:
0x52: {  	[hbm:s17] =	stream.linear.scatter [tilespmem:s14], [sflag:$0x3], $0x400, $0x38;
	[tilespmem:$0xA140] =	vst v63  }
0x53: {  	s17 =	smov.u32 s16;
	s14 =	smov.u32 s15;
	p1 =	sne.s32 s16, $0x980  }
.Ltmp4:
0x54: {  	s16 =	sadd.s32 $0x80, s16;
	(pc) =	sbr.rel @p1 .LBB2_5-.Ltmp4, $2  }
0x55: {  	_ =	sdelay $0x2  }
0x56: {  	s15 =	sadd.s32 $0x400, s15;
	s17 =	sadd.s32 s17, s13  }
.Ltmp5:
0x57: {  	_ = 	snop;
	(pc) =	sbr.rel .LBB2_6-.Ltmp5, $1  }
0x58: {  	_ =	sdelay $0x3  }
.LBB2_8:
0x59: {  	_ =	sfence.sel $0x180000  }
0x5a: {  	s1 =	simm.s32 $0x2;
	[bflag:$0x0] =	sbarrier.arrive $0xFFFF  }
0x5b: {  	s30 =	simm.s32 $0x3;
	[sflag:s1] =	ssyncpa.u1 $0x1  }
0x5c: {  	s31 =	simm.s32 $0x1;
	[sflag:s30] =	ssyncpa.u1 $0x1  }
0x5d: {  	[sflag:s31] =	ssyncpa.u1 $0x1  }
0x5e: {  	p0 =	sne.s32 s0, $0x0;
	_ =	strace $0x90000050  }
0x5f: {  	s0 =	sadd.s32 @!p0 $0x100000, s2;
	[bflag:$0x2] =	sbarrier.arrive $0xFFFF  }
0x60: {  	[sflag:s0] =	ssyncadd.tile.s32 @!p0 $0x1;
	_ =	shalt  }
.Lfunc_end2:
_tile_overlayer_lowered:
.L_overlay_start_2:
0x61: {  	(tag) =	ssettag $0x2  }
0x62: {  	s0 =	rddreg [dreg:$0x0];
	s2 =	stileid.u32  }
0x63: {  	s1 =	rddreg [dreg:$0x1];
	p0 =	sne.s32 s2, $0x0  }
0x64: {  	s3 =	rddreg [dreg:$0x2];
	[bflag:$0x3] =	sbarrier.arrive $0xFFFF;
	s2 =	simm.s32 @!p0 $0x1C01  }
0x65: {  	[timem:s3], [sflag:s2] =	dma.local @!p0 [hbm:s0], s1  }
0x66: {  	s0 =	simm.s32 @!p0 $0x1  }
0x67: {  	_ =	swait.ge @!p0 [sflag:s0], s1  }
0x68: {  	s1 =	ssub.s32 @!p0 $0x0, s1;
	[sflag:s0] =	ssyncset.done @!p0 $0x0  }
0x69: {  	[sflag:s0] =	ssyncadd.s32 @!p0 s1  }
0x6a: {  	[bflag:$0x3] =	sbarrier.arrive $0xFFFF  }
0x6b: {  	_ =	shalt  }

// kernel: kernel.4.cloned.1.call-start
scs
__scs_entry_jumppad:
0x0: {  	(pc) =	sbr.rel $0x88, $3  }
0x1: {  	(tag) =	ssettag $0x0;
	lr =	simm.s32 $0x1  }
0x2: {  	[smem:$0x3F92] =	sst lr;
	_ =	strace $0xD0000000  }
0x3: {  	_ = 	snop  }
0x4: {  	_ = 	snop  }
0x5: {  	_ = 	snop  }
0x6: {  	_ = 	snop  }
0x7: {  	_ = 	snop  }
__scs_overlays_trampoline_lowered:
0x8: {  	[smem:$0x3FA1] =	sst s0  }
0x9: {  	[smem:$0x3FA2] =	sst s1  }
0xa: {  	[smem:$0x3FA3] =	sst s2  }
0xb: {  	[smem:$0x3FA4] =	sst s3  }
0xc: {  	[smem:$0x3FA5] =	sst s4  }
0xd: {  	[smem:$0x3FA6] =	sst s5  }
0xe: {  	[smem:$0x3FA7] =	sst s6  }
0xf: {  	[smem:$0x3FA8] =	sst s7  }
0x10: {  	[smem:$0x3FA9] =	sst s8  }
0x11: {  	[smem:$0x3FAA] =	sst s9;
	s0 =	simm.s32 @!p0 $0x0  }
0x12: {  	s1 =	sld [smem:$0x3F90];
	s0 =	simm.s32 @p0 $0x1  }
0x13: {  	[smem:$0x3FAB] =	sst s0;
	s0 =	simm.s32 @!p1 $0x0  }
0x14: {  	s2 =	sld [smem:$0x3F8F];
	s0 =	simm.s32 @p1 $0x1  }
0x15: {  	[smem:$0x3FAC] =	sst s0;
	s0 =	simm.s32 @!p2 $0x0  }
0x16: {  	s3 =	sld [smem:$0x3FDB];
	s0 =	simm.s32 @p2 $0x1  }
0x17: {  	s4 =	simm.s32 $0x1BF5;
	[smem:$0x3FAE] =	sst s0  }
0x18: {  	s0 =	sld [smem:$0x3F91];
	_ =	swait.ge [sflag:s4], $0x0  }
0x19: {  	s7 =	sld [smem:$0x3F92]  }
0x1a: {  	s8 =	sadd.s32 $0xFFFFE003, lr  }
0x1b: {  	s9 =	sadd.s32 $0xFFFFFEF7, lr;
	s5 =	simm.s32 $0xFFFFFFFF;
	p2 =	slt.u32 s8, $0xFFFFF086  }
0x1c: {  	p1 =	slt.u32 s9, $0xF7A;
	s5 =	simm.s32 @!p2 $0x0  }
0x1d: {  	s5 =	simm.s32 @p1 $0x1;
	p0 =	seq.s32 s7, s2  }
0x1e: {  	s7 =	smul.u32 @!p0 $0xF7A, s2;
	p2 =	seq.s32 @!p0 s5, $0x0  }
0x1f: {  	s9 =	smul.u32 $0xF7A, s1;
	s8 =	simm.s32 @!p0 $0x1BF5;
	p2 =	por !p2, p0  }
0x20: {  	[sflag:s8] =	ssyncset.s32 @!p0 $0xFFFFF086;
	s6 =	sadd.s32 @!p0 s3, s7;
	s7 =	simm.s32 @!p0 $0x108  }
0x21: {  	s3 =	sadd.s32 s3, s9;
	s6 =	sadd.s32 @!p0 $0x88, s6;
	s7 =	simm.s32 @p2 $0x1082  }
0x22: {  	[simem:s7], [sflag:s8] =	dma.local @!p0 [hbm:s6], $0xF7A  }
0x23: {  	s9 =	sor.u32 $0xD0000000, s2;
	s6 =	simm.s32 $0x108;
	_ =	swait.ge @!p0 [sflag:s8], $0x0  }
0x24: {  	s3 =	sadd.s32 $0x88, s3;
	s6 =	simm.s32 @!p1 $0x1082;
	[sflag:s4] =	ssyncset.s32 $0xFFFFF086  }
0x25: {  	[simem:s6], [sflag:s4] =	dma.local [hbm:s3], $0xF7A  }
0x26: {  	[smem:$0x3F92] =	sst s1;
	(tag) =	ssettag s2;
	_ =	strace s9  }
0x27: {  	s1 =	sld [smem:$0x3FA2]  }
0x28: {  	s2 =	sld [smem:$0x3FA3]  }
0x29: {  	s4 =	sld [smem:$0x3FA5]  }
0x2a: {  	p0 =	seq.s32 s5, $0x0;
	s5 =	sld [smem:$0x3FA6]  }
0x2b: {  	s6 =	sld [smem:$0x3FA7]  }
0x2c: {  	s7 =	sld [smem:$0x3FA8]  }
0x2d: {  	s3 =	simm.s32 $0x108;
	s8 =	sld [smem:$0x3FA9]  }
0x2e: {  	s3 =	simm.s32 @!p0 $0x1082;
	s9 =	sld [smem:$0x3FAA]  }
0x2f: {  	lr =	sadd.s32 s0, s3;
	s0 =	sld [smem:$0x3FA1]  }
0x30: {  	s3 =	sld [smem:$0x3FA4]  }
0x31: {  	[smem:$0x3FAD] =	sst s10  }
0x32: {  	s10 =	sld [smem:$0x3FAB];
	_ =	sdelay $0x3  }
0x33: {  	p0 =	seq.s32 s10, $0x1;
	s10 =	sld [smem:$0x3FAD];
	_ =	sdelay $0x3  }
0x34: {  	[smem:$0x3FAD] =	sst s10  }
0x35: {  	s10 =	sld [smem:$0x3FAC];
	_ =	sdelay $0x3  }
0x36: {  	p1 =	seq.s32 s10, $0x1;
	s10 =	sld [smem:$0x3FAD];
	_ =	sdelay $0x3  }
0x37: {  	[smem:$0x3FAD] =	sst s10  }
0x38: {  	s10 =	sld [smem:$0x3FAE]  }
0x39: {  	_ = 	snop;
	(pc) =	sbr.ind lr, $3  }
0x3a: {  	_ = 	snop  }
0x3b: {  	_ = 	snop  }
0x3c: {  	p2 =	seq.s32 s10, $0x1;
	s10 =	sld [smem:$0x3FAD]  }
0x3d: {  	_ =	shalt  }
0x3e: {  	_ =	shalt  }
0x3f: {  	_ =	shalt  }
0x40: {  	_ =	shalt  }
0x41: {  	_ =	shalt  }
0x42: {  	_ =	shalt  }
0x43: {  	_ =	shalt  }
0x44: {  	_ =	shalt  }
0x45: {  	_ =	shalt  }
0x46: {  	_ =	shalt  }
0x47: {  	_ =	shalt  }
0x48: {  	_ =	shalt  }
0x49: {  	_ =	shalt  }
0x4a: {  	_ =	shalt  }
0x4b: {  	_ =	shalt  }
0x4c: {  	_ =	shalt  }
0x4d: {  	_ =	shalt  }
0x4e: {  	_ =	shalt  }
0x4f: {  	_ =	shalt  }
0x50: {  	_ =	shalt  }
0x51: {  	_ =	shalt  }
0x52: {  	_ =	shalt  }
0x53: {  	_ =	shalt  }
0x54: {  	_ =	shalt  }
0x55: {  	_ =	shalt  }
0x56: {  	_ =	shalt  }
0x57: {  	_ =	shalt  }
0x58: {  	_ =	shalt  }
0x59: {  	_ =	shalt  }
0x5a: {  	_ =	shalt  }
0x5b: {  	_ =	shalt  }
0x5c: {  	_ =	shalt  }
0x5d: {  	_ =	shalt  }
0x5e: {  	_ =	shalt  }
0x5f: {  	_ =	shalt  }
0x60: {  	_ =	shalt  }
0x61: {  	_ =	shalt  }
0x62: {  	_ =	shalt  }
0x63: {  	_ =	shalt  }
0x64: {  	_ =	shalt  }
0x65: {  	_ =	shalt  }
0x66: {  	_ =	shalt  }
0x67: {  	_ =	shalt  }
0x68: {  	_ =	shalt  }
0x69: {  	_ =	shalt  }
0x6a: {  	_ =	shalt  }
0x6b: {  	_ =	shalt  }
0x6c: {  	_ =	shalt  }
0x6d: {  	_ =	shalt  }
0x6e: {  	_ =	shalt  }
0x6f: {  	_ =	shalt  }
0x70: {  	_ =	shalt  }
0x71: {  	_ =	shalt  }
0x72: {  	_ =	shalt  }
0x73: {  	_ =	shalt  }
0x74: {  	_ =	shalt  }
0x75: {  	_ =	shalt  }
0x76: {  	_ =	shalt  }
0x77: {  	_ =	shalt  }
0x78: {  	_ =	shalt  }
0x79: {  	_ =	shalt  }
0x7a: {  	_ =	shalt  }
0x7b: {  	_ =	shalt  }
0x7c: {  	_ =	shalt  }
0x7d: {  	_ =	shalt  }
0x7e: {  	_ =	shalt  }
0x7f: {  	_ =	shalt  }
0x80: {  	_ =	shalt  }
0x81: {  	_ =	shalt  }
0x82: {  	_ =	shalt  }
0x83: {  	_ =	shalt  }
0x84: {  	_ =	shalt  }
0x85: {  	_ =	shalt  }
0x86: {  	_ =	shalt  }
0x87: {  	_ =	shalt  }
.Lfunc_end0:
.L_simem_size_0:
called_computation.4_lowered:
.L_overlay_start_0:
0x88: {  	s2 =	sld [smem:$0x3FD9]  }
0x89: {  	s3 =	sld [smem:$0x3FFE];
	_ =	sdelay $0x1  }
0x8a: {  	s1 =	srdreg.scid  }
0x8b: {  	s0 =	sand.u32 $0x1, s1  }
0x8c: {  	s16 =	sshll.u32 s0, $0xA;
	s2 =	sadd.s32 s3, s2  }
0x8d: {  	s2 =	sadd.s32 s2, s16  }
0x8e: {  	[smem:$0x3FB9] =	sst s2  }
0x8f: {  	_ = 	snop  }
0x90: {  	(tm) =	ssettm $0x1  }
0x91: {  	s17 =	sld [smem:$0x3FFB];
	_ =	sdelay $0x3  }
0x92: {  	_ =	strace s17  }
0x93: {  	s2 =	sld [smem:$0x3FFC];
	_ =	sdelay $0x3  }
0x94: {  	_ =	strace s2  }
0x95: {  	s2 =	sld [smem:$0x3FFD];
	_ =	sdelay $0x3  }
0x96: {  	_ =	strace s2  }
0x97: {  	_ =	strace $0x8FFFFFFF  }
0x98: {  	s18 =	sld [smem:$0x3FDB];
	_ =	sdelay $0x1  }
0x99: {  	s19 =	simm.s32 $_scs_section_size  }
0x9a: {  	s4 =	simm.s32 $_size__tile_overlayer_lowered;
	s5 =	simm.s32 $_tile_overlayer_lowered  }
0x9b: {  	s22 =	simm.s32 $0x1BFF;
	s21 =	sshll.u32 s5, $0x1;
	s2 =	sadd.s32 s19, s18  }
0x9c: {  	s6 =	simm.s32 $0x0;
	s20 =	sshll.u32 s4, $0x1;
	s4 =	sadd.s32 s21, s2  }
0x9d: {  	[timem:s6], [sflag:s22] =	dma.local [hbm:s4], s20  }
0x9e: {  	_ =	swait.ge [sflag:s22], s20  }
0x9f: {  	s3 =	ssub.s32 $0x0, s20;
	[sflag:s22] =	ssyncset.done $0x0  }
0xa0: {  	[sflag:s22] =	ssyncadd.s32 s3;
	_ =	sdelay $0x1  }
0xa1: {  	s23 =	simm.s32 $0x1B8B  }
0xa2: {  	_ =	swait.ge [sflag:s23], $0x1  }
0xa3: {  	[sflag:s23] =	ssyncset.done $0x0  }
0xa4: {  	s25 =	simm.s32 $0x1B8E;
	s24 =	sld [smem:$0x3FFE];
	[sflag:s23] =	ssyncadd.s32 $0xFFFFFFFF  }
0xa5: {  	s26 =	simm.s32 $execute0_lowered;
	[smem:$0x3FD2] =	sst s25  }
0xa6: {  	s4 =	sshll.u32 s26, $0x1;
	_ =	strace $0x80000046;
	[dreg:$0x1] =	wrdreg $0xFFFFFFFF  }
0xa7: {  	s28 =	simm.s32 $_size_execute0_lowered;
	s2 =	sadd.s32 s2, s4;
	[dreg:$0x0] =	wrdreg $0x0  }
0xa8: {  	s4 =	sshll.u32 s28, $0x1;
	[dreg:$0x2] =	wrdreg s2  }
0xa9: {  	[dreg:$0x3] =	wrdreg s4  }
0xaa: {  	[dreg:$0x4] =	wrdreg $0xC0  }
0xab: {  	_ =	task [dreg:s6], $0x5FFFF  }
0xac: {  	[dreg:$0x1] =	wrdreg $0xFFFFFFFF  }
0xad: {  	[dreg:$0x0] =	wrdreg $0x60  }
0xae: {  	[dreg:$0x2] =	wrdreg s24  }
0xaf: {  	[dreg:$0x3] =	wrdreg $0x9  }
0xb0: {  	_ =	task.clear_ibuf [dreg:s6], $0x4FFFF;
	_ =	strace $0x90000046  }
0xb1: {  	s29 =	simm.s32 $0x9;
	_ =	strace $0x80000048  }
0xb2: {  	_ =	swait.ge [sflag:s29], $0x1  }
0xb3: {  	[sflag:s29] =	ssyncadd.s32 $0xFFFFFFFF  }
0xb4: {  	_ =	strace $0x90000048  }
0xb5: {  	_ =	sfence  }
0xb6: {  	s30 =	sld [smem:$0x0];
	_ =	sdelay $0x2  }
0xb7: {  	s31 =	sshll.u32 s1, $0xD;
	s1 =	sshrl.u32 s1, $0x2  }
0xb8: {  	s3 =	sand.u32 $0x4000, s31;
	s1 =	sadd.s32 s1, s30  }
0xb9: {  	s0 =	sor.u32 s3, s0;
	s1 =	sshll.u32 s1, $0x11  }
0xba: {  	s0 =	sor.u32 s1, s0  }
0xbb: {  	s0 =	sadd.s32 $0x8F2B, s0  }
0xbc: {  	[sflag:s0] =	ssyncadd.remote.s32 $0x1  }
0xbd: {  	_ =	sfence.sel $0xFFFF  }
0xbe: {  	[dreg:$0x0] =	wrdreg $0xFFFFFFFF;
	(pc) =	sbr.abs _section_cstart, $3  }
0xbf: {  	[dreg:$0x1] =	wrdreg $0xFFFFFFFF  }
0xc0: {  	_ =	task.clear_ibuf [dreg:s6], $0x2FFFF;
	_ =	strace $0x9FFFFFFF  }
0xc1: {  	(tm) =	ssettm $0x7FFFFFFF  }
tec
execute0_lowered:
.L_overlay_start_1:
0x0: {  	(tag) =	ssettag $0x1  }
0x1: {  	s1 =	srdreg.scid  }
0x2: {  	s0 =	stileid.u32;
	s2 =	rddreg [dreg:$0x0];
	s3 =	simm.s32 $0x0  }
0x3: {  	s9 =	simm.s32 $0x80;
	s10 =	simm.s32 $0x1;
	s5 =	smul.u32 $0x50A0, s0  }
0x4: {  	s4 =	sand.u32 $0x1, s1;
	s1 =	rddreg [dreg:$0x1];
	s7 =	smul.u32 $0x50A00, s0  }
0x5: {  	s11 =	simm.s32 $0x0;
	[smem:$0x7FF] =	sst s3;
	s6 =	smul.u32 $0x2850, s4  }
0x6: {  	_ =	strace $0x80000047;
	s8 =	ssub.s32 $0x2, s4;
	s4 =	smul.u32 $0x28500, s4  }
0x7: {  	s29 =	sadd.s32 s7, s2;
	s30 =	sshrl.u32 s8, $0x1;
	s5 =	sadd.s32 s6, s5  }
0x8: {  	s7 =	ssub.s32 s8, s30;
	s6 =	sadd.s32 s4, s29;
	s5 =	sshrl.u32 s5, $0x3  }
0x9: {  	s8 =	simm.s32 $0x78;
	s4 =	smax.u32 s7, $0x1;
	s31 =	sadd.s32 s5, s2  }
0xa: {  	s7 =	simm.s32 $0x2;
	s5 =	sadd.s32 $0x31400, s6;
	s6 =	sadd.s32 $0x27200, s31  }
.LBB2_1:
0xb: {  	s12 =	sadd.s32 $0x0, s6  }
0xc: {  	[tilespmem:s3], [sflag:$0x2] =	stream.linear.gather [hbm4b:s12+s3], $0x78, $0x38;
	[tilespmem:$0x3C80] =	vst v63  }
0xd: {  	_ =	swait.ge [sflag:s7], $0x78  }
0xe: {  	[sflag:s7] =	ssyncset.done $0x0  }
0xf: {  	[sflag:s7] =	ssyncadd.s32 $0xFFFFFF88  }
0x10: {  	[tilespmem:s9], [sflag:$0x1] =	stream.indirect.gather [hbm4b:s2+s8], $0x80, s3, s8, $0xb8;
	[tilespmem:$0x3C80] =	vst v63  }
0x11: {  	_ =	swait.ge [sflag:s10], $0x3C00  }
0x12: {  	[sflag:s10] =	ssyncset.done $0x0  }
0x13: {  	[sflag:s10] =	ssyncadd.s32 $0xFFFFC400  }
0x14: {  	[hbm4b:s5+s3] =	stream.linear.scatter [tilespmem:s9], [sflag:$0x2], $0x3C00, $0x38;
	[tilespmem:$0x3C80] =	vst v63  }
0x15: {  	s13 =	simm.s32 $0xF;
	_ =	swait.ge [sflag:s7], $0x3C00  }
0x16: {  	s14 =	simm.s32 $0x1E;
	s12 =	sadd.s32 $0x780, s5;
	[sflag:s7] =	ssyncset.done $0x0  }
.LBB2_2:
0x17: {  	s15 =	sadd.s32 s13, s6  }
0x18: {  	[sflag:s7] =	ssyncadd.s32 $0xFFFFC400;
	s13 =	smov.u32 s14;
	s16 =	sadd.s32 $0xF, s14  }
0x19: {  	[tilespmem:s3], [sflag:$0x2] =	stream.linear.gather [hbm4b:s15+s3], $0x78, $0x38;
	[tilespmem:$0x3C80] =	vst v63  }
0x1a: {  	p0 =	sne.s32 s14, $0x4FB;
	_ =	swait.ge [sflag:s7], $0x78  }
0x1b: {  	[sflag:s7] =	ssyncset.done $0x0  }
0x1c: {  	[sflag:s7] =	ssyncadd.s32 $0xFFFFFF88  }
0x1d: {  	[tilespmem:s9], [sflag:$0x1] =	stream.indirect.gather [hbm4b:s2+s8], $0x80, s3, s8, $0xb8;
	[tilespmem:$0x3C80] =	vst v63  }
0x1e: {  	_ =	swait.ge [sflag:s10], $0x3C00  }
.Ltmp0:
0x1f: {  	[sflag:s10] =	ssyncset.done $0x0;
	(pc) =	sbr.rel @p0 .LBB2_2-.Ltmp0, $4  }
0x20: {  	[sflag:s10] =	ssyncadd.s32 $0xFFFFC400  }
0x21: {  	[hbm4b:s12+s3] =	stream.linear.scatter [tilespmem:s9], [sflag:$0x2], $0x3C00, $0x38;
	[tilespmem:$0x3C80] =	vst v63  }
0x22: {  	_ =	swait.ge [sflag:s7], $0x3C00  }
0x23: {  	s14 =	smov.u32 s16;
	s12 =	sadd.s32 $0x780, s12;
	[sflag:s7] =	ssyncset.done $0x0  }
0x24: {  	s13 =	sadd.s32 s13, s6;
	[sflag:s7] =	ssyncadd.s32 $0xFFFFC400  }
0x25: {  	[tilespmem:s3], [sflag:$0x2] =	stream.linear.gather [hbm4b:s13+s3], $0x78, $0x38;
	[tilespmem:$0x3C80] =	vst v63  }
0x26: {  	_ =	swait.ge [sflag:s7], $0x78  }
0x27: {  	[sflag:s7] =	ssyncset.done $0x0  }
0x28: {  	[sflag:s7] =	ssyncadd.s32 $0xFFFFFF88  }
0x29: {  	[tilespmem:s9], [sflag:$0x1] =	stream.indirect.gather [hbm4b:s2+s8], $0x80, s3, s8, $0xb8;
	[tilespmem:$0x3C80] =	vst v63  }
0x2a: {  	s11 =	sadd.s32 $0x1, s11;
	_ =	swait.ge [sflag:s10], $0x3C00  }
0x2b: {  	p0 =	sne.s32 s11, s4;
	[sflag:s10] =	ssyncset.done $0x0  }
.Ltmp1:
0x2c: {  	[sflag:s10] =	ssyncadd.s32 $0xFFFFC400;
	(pc) =	sbr.rel @p0 .LBB2_1-.Ltmp1, $4  }
0x2d: {  	[hbm4b:s12+s3] =	stream.linear.scatter [tilespmem:s9], [sflag:$0x2], $0x3C00, $0x38;
	[tilespmem:$0x3C80] =	vst v63  }
0x2e: {  	_ =	swait.ge [sflag:s7], $0x3C00  }
0x2f: {  	[sflag:s7] =	ssyncset.done $0x0  }
0x30: {  	[sflag:s7] =	ssyncadd.s32 $0xFFFFC400  }
0x31: {  	_ =	sfence.sel $0x180000  }
0x32: {  	[bflag:$0x0] =	sbarrier.arrive $0xFFFF  }
0x33: {  	p0 =	sne.s32 s0, $0x0;
	_ =	strace $0x90000047  }
0x34: {  	s0 =	sadd.s32 @!p0 $0x100000, s1;
	[bflag:$0x2] =	sbarrier.arrive $0xFFFF  }
0x35: {  	[sflag:s0] =	ssyncadd.tile.s32 @!p0 $0x1;
	_ =	shalt  }
.Lfunc_end2:
_tile_overlayer_lowered:
.L_overlay_start_2:
0x36: {  	(tag) =	ssettag $0x2  }
0x37: {  	s0 =	rddreg [dreg:$0x0];
	s2 =	stileid.u32  }
0x38: {  	s1 =	rddreg [dreg:$0x1];
	p0 =	sne.s32 s2, $0x0  }
0x39: {  	s3 =	rddreg [dreg:$0x2];
	[bflag:$0x3] =	sbarrier.arrive $0xFFFF;
	s2 =	simm.s32 @!p0 $0x1C02  }
0x3a: {  	[timem:s3], [sflag:s2] =	dma.local @!p0 [hbm:s0], s1  }
0x3b: {  	s0 =	simm.s32 @!p0 $0x2  }
0x3c: {  	_ =	swait.ge @!p0 [sflag:s0], s1  }
0x3d: {  	s1 =	ssub.s32 @!p0 $0x0, s1;
	[sflag:s0] =	ssyncset.done @!p0 $0x0  }
0x3e: {  	[sflag:s0] =	ssyncadd.s32 @!p0 s1  }
0x3f: {  	[bflag:$0x3] =	sbarrier.arrive $0xFFFF  }
0x40: {  	_ =	shalt  }

// kernel: scatter_offload_async_start
scs
__scs_entry_jumppad:
0x0: {  	(pc) =	sbr.rel $0x88, $3  }
0x1: {  	(tag) =	ssettag $0x0;
	lr =	simm.s32 $0x1  }
0x2: {  	[smem:$0x3F92] =	sst lr;
	_ =	strace $0xD0000000  }
0x3: {  	_ = 	snop  }
0x4: {  	_ = 	snop  }
0x5: {  	_ = 	snop  }
0x6: {  	_ = 	snop  }
0x7: {  	_ = 	snop  }
__scs_overlays_trampoline_lowered:
0x8: {  	[smem:$0x3FA1] =	sst s0  }
0x9: {  	[smem:$0x3FA2] =	sst s1  }
0xa: {  	[smem:$0x3FA3] =	sst s2  }
0xb: {  	[smem:$0x3FA4] =	sst s3  }
0xc: {  	[smem:$0x3FA5] =	sst s4  }
0xd: {  	[smem:$0x3FA6] =	sst s5  }
0xe: {  	[smem:$0x3FA7] =	sst s6  }
0xf: {  	[smem:$0x3FA8] =	sst s7  }
0x10: {  	[smem:$0x3FA9] =	sst s8  }
0x11: {  	[smem:$0x3FAA] =	sst s9;
	s0 =	simm.s32 @!p0 $0x0  }
0x12: {  	s1 =	sld [smem:$0x3F90];
	s0 =	simm.s32 @p0 $0x1  }
0x13: {  	[smem:$0x3FAB] =	sst s0;
	s0 =	simm.s32 @!p1 $0x0  }
0x14: {  	s2 =	sld [smem:$0x3F8F];
	s0 =	simm.s32 @p1 $0x1  }
0x15: {  	[smem:$0x3FAC] =	sst s0;
	s0 =	simm.s32 @!p2 $0x0  }
0x16: {  	s3 =	sld [smem:$0x3FDB];
	s0 =	simm.s32 @p2 $0x1  }
0x17: {  	s4 =	simm.s32 $0x1BF5;
	[smem:$0x3FAE] =	sst s0  }
0x18: {  	s0 =	sld [smem:$0x3F91];
	_ =	swait.ge [sflag:s4], $0x0  }
0x19: {  	s7 =	sld [smem:$0x3F92]  }
0x1a: {  	s8 =	sadd.s32 $0xFFFFE003, lr  }
0x1b: {  	s9 =	sadd.s32 $0xFFFFFEF7, lr;
	s5 =	simm.s32 $0xFFFFFFFF;
	p2 =	slt.u32 s8, $0xFFFFF086  }
0x1c: {  	p1 =	slt.u32 s9, $0xF7A;
	s5 =	simm.s32 @!p2 $0x0  }
0x1d: {  	s5 =	simm.s32 @p1 $0x1;
	p0 =	seq.s32 s7, s2  }
0x1e: {  	s7 =	smul.u32 @!p0 $0xF7A, s2;
	p2 =	seq.s32 @!p0 s5, $0x0  }
0x1f: {  	s9 =	smul.u32 $0xF7A, s1;
	s8 =	simm.s32 @!p0 $0x1BF5;
	p2 =	por !p2, p0  }
0x20: {  	[sflag:s8] =	ssyncset.s32 @!p0 $0xFFFFF086;
	s6 =	sadd.s32 @!p0 s3, s7;
	s7 =	simm.s32 @!p0 $0x108  }
0x21: {  	s3 =	sadd.s32 s3, s9;
	s6 =	sadd.s32 @!p0 $0x88, s6;
	s7 =	simm.s32 @p2 $0x1082  }
0x22: {  	[simem:s7], [sflag:s8] =	dma.local @!p0 [hbm:s6], $0xF7A  }
0x23: {  	s9 =	sor.u32 $0xD0000000, s2;
	s6 =	simm.s32 $0x108;
	_ =	swait.ge @!p0 [sflag:s8], $0x0  }
0x24: {  	s3 =	sadd.s32 $0x88, s3;
	s6 =	simm.s32 @!p1 $0x1082;
	[sflag:s4] =	ssyncset.s32 $0xFFFFF086  }
0x25: {  	[simem:s6], [sflag:s4] =	dma.local [hbm:s3], $0xF7A  }
0x26: {  	[smem:$0x3F92] =	sst s1;
	(tag) =	ssettag s2;
	_ =	strace s9  }
0x27: {  	s1 =	sld [smem:$0x3FA2]  }
0x28: {  	s2 =	sld [smem:$0x3FA3]  }
0x29: {  	s4 =	sld [smem:$0x3FA5]  }
0x2a: {  	p0 =	seq.s32 s5, $0x0;
	s5 =	sld [smem:$0x3FA6]  }
0x2b: {  	s6 =	sld [smem:$0x3FA7]  }
0x2c: {  	s7 =	sld [smem:$0x3FA8]  }
0x2d: {  	s3 =	simm.s32 $0x108;
	s8 =	sld [smem:$0x3FA9]  }
0x2e: {  	s3 =	simm.s32 @!p0 $0x1082;
	s9 =	sld [smem:$0x3FAA]  }
0x2f: {  	lr =	sadd.s32 s0, s3;
	s0 =	sld [smem:$0x3FA1]  }
0x30: {  	s3 =	sld [smem:$0x3FA4]  }
0x31: {  	[smem:$0x3FAD] =	sst s10  }
0x32: {  	s10 =	sld [smem:$0x3FAB];
	_ =	sdelay $0x3  }
0x33: {  	p0 =	seq.s32 s10, $0x1;
	s10 =	sld [smem:$0x3FAD];
	_ =	sdelay $0x3  }
0x34: {  	[smem:$0x3FAD] =	sst s10  }
0x35: {  	s10 =	sld [smem:$0x3FAC];
	_ =	sdelay $0x3  }
0x36: {  	p1 =	seq.s32 s10, $0x1;
	s10 =	sld [smem:$0x3FAD];
	_ =	sdelay $0x3  }
0x37: {  	[smem:$0x3FAD] =	sst s10  }
0x38: {  	s10 =	sld [smem:$0x3FAE]  }
0x39: {  	_ = 	snop;
	(pc) =	sbr.ind lr, $3  }
0x3a: {  	_ = 	snop  }
0x3b: {  	_ = 	snop  }
0x3c: {  	p2 =	seq.s32 s10, $0x1;
	s10 =	sld [smem:$0x3FAD]  }
0x3d: {  	_ =	shalt  }
0x3e: {  	_ =	shalt  }
0x3f: {  	_ =	shalt  }
0x40: {  	_ =	shalt  }
0x41: {  	_ =	shalt  }
0x42: {  	_ =	shalt  }
0x43: {  	_ =	shalt  }
0x44: {  	_ =	shalt  }
0x45: {  	_ =	shalt  }
0x46: {  	_ =	shalt  }
0x47: {  	_ =	shalt  }
0x48: {  	_ =	shalt  }
0x49: {  	_ =	shalt  }
0x4a: {  	_ =	shalt  }
0x4b: {  	_ =	shalt  }
0x4c: {  	_ =	shalt  }
0x4d: {  	_ =	shalt  }
0x4e: {  	_ =	shalt  }
0x4f: {  	_ =	shalt  }
0x50: {  	_ =	shalt  }
0x51: {  	_ =	shalt  }
0x52: {  	_ =	shalt  }
0x53: {  	_ =	shalt  }
0x54: {  	_ =	shalt  }
0x55: {  	_ =	shalt  }
0x56: {  	_ =	shalt  }
0x57: {  	_ =	shalt  }
0x58: {  	_ =	shalt  }
0x59: {  	_ =	shalt  }
0x5a: {  	_ =	shalt  }
0x5b: {  	_ =	shalt  }
0x5c: {  	_ =	shalt  }
0x5d: {  	_ =	shalt  }
0x5e: {  	_ =	shalt  }
0x5f: {  	_ =	shalt  }
0x60: {  	_ =	shalt  }
0x61: {  	_ =	shalt  }
0x62: {  	_ =	shalt  }
0x63: {  	_ =	shalt  }
0x64: {  	_ =	shalt  }
0x65: {  	_ =	shalt  }
0x66: {  	_ =	shalt  }
0x67: {  	_ =	shalt  }
0x68: {  	_ =	shalt  }
0x69: {  	_ =	shalt  }
0x6a: {  	_ =	shalt  }
0x6b: {  	_ =	shalt  }
0x6c: {  	_ =	shalt  }
0x6d: {  	_ =	shalt  }
0x6e: {  	_ =	shalt  }
0x6f: {  	_ =	shalt  }
0x70: {  	_ =	shalt  }
0x71: {  	_ =	shalt  }
0x72: {  	_ =	shalt  }
0x73: {  	_ =	shalt  }
0x74: {  	_ =	shalt  }
0x75: {  	_ =	shalt  }
0x76: {  	_ =	shalt  }
0x77: {  	_ =	shalt  }
0x78: {  	_ =	shalt  }
0x79: {  	_ =	shalt  }
0x7a: {  	_ =	shalt  }
0x7b: {  	_ =	shalt  }
0x7c: {  	_ =	shalt  }
0x7d: {  	_ =	shalt  }
0x7e: {  	_ =	shalt  }
0x7f: {  	_ =	shalt  }
0x80: {  	_ =	shalt  }
0x81: {  	_ =	shalt  }
0x82: {  	_ =	shalt  }
0x83: {  	_ =	shalt  }
0x84: {  	_ =	shalt  }
0x85: {  	_ =	shalt  }
0x86: {  	_ =	shalt  }
0x87: {  	_ =	shalt  }
.Lfunc_end0:
.L_simem_size_0:
called_computation_lowered:
.L_overlay_start_0:
0x88: {  	s0 =	sld [smem:$0x3FD9]  }
0x89: {  	s1 =	sld [smem:$0x3FFE];
	_ =	sdelay $0x3  }
0x8a: {  	s0 =	sadd.s32 s1, s0  }
0x8b: {  	[smem:$0x3FB9] =	sst s0  }
0x8c: {  	_ = 	snop  }
0x8d: {  	s0 =	sld [smem:$0x3FD0];
	_ =	sdelay $0x2  }
0x8e: {  	s13 =	simm.s32 $0xB;
	s2 =	simm.s32 $0x10  }
0x8f: {  	[smem:s2], [sflag:s13] =	dma.local [hbm:s0], $0x1  }
0x90: {  	_ =	swait.eq [sflag:s13], $0x1  }
0x91: {  	[sflag:s13] =	ssyncset.done $0x0  }
0x92: {  	[sflag:s13] =	ssyncadd.s32 $0xFFFFFFFF  }
0x93: {  	s14 =	sld [smem:$0x10];
	(tm) =	ssettm $0x1  }
0x94: {  	s15 =	sld [smem:$0x3FFB];
	_ =	sdelay $0x3  }
0x95: {  	_ =	strace s15  }
0x96: {  	s1 =	sld [smem:$0x3FFC];
	_ =	sdelay $0x3  }
0x97: {  	_ =	strace s1  }
0x98: {  	s1 =	sld [smem:$0x3FFD];
	_ =	sdelay $0x3  }
0x99: {  	_ =	strace s1  }
0x9a: {  	_ =	strace $0x8FFFFFFF  }
0x9b: {  	s16 =	sld [smem:$0x3FDB];
	_ =	sdelay $0x1  }
0x9c: {  	s17 =	simm.s32 $_scs_section_size  }
0x9d: {  	s3 =	simm.s32 $_size__tile_overlayer_lowered;
	s4 =	simm.s32 $_tile_overlayer_lowered  }
0x9e: {  	s20 =	simm.s32 $0x1BFF;
	s19 =	sshll.u32 s4, $0x1;
	s1 =	sadd.s32 s17, s16  }
0x9f: {  	s5 =	simm.s32 $0x0;
	s18 =	sshll.u32 s3, $0x1;
	s3 =	sadd.s32 s19, s1  }
0xa0: {  	[timem:s5], [sflag:s20] =	dma.local [hbm:s3], s18  }
0xa1: {  	_ =	swait.ge [sflag:s20], s18  }
0xa2: {  	s2 =	ssub.s32 $0x0, s18;
	[sflag:s20] =	ssyncset.done $0x0  }
0xa3: {  	[sflag:s20] =	ssyncadd.s32 s2;
	_ =	sdelay $0x1  }
0xa4: {  	s21 =	simm.s32 $0x1B8B  }
0xa5: {  	_ =	swait.ge [sflag:s21], $0x1  }
0xa6: {  	[sflag:s21] =	ssyncset.done $0x0  }
0xa7: {  	s23 =	simm.s32 $0x1B8E;
	s22 =	sld [smem:$0x3FFE];
	[sflag:s21] =	ssyncadd.s32 $0xFFFFFFFF  }
0xa8: {  	s24 =	simm.s32 $execute0_lowered;
	[smem:$0x3FD2] =	sst s23  }
0xa9: {  	s3 =	sshll.u32 s24, $0x1;
	_ =	strace $0x80000049;
	[dreg:$0x1] =	wrdreg $0xFFFFFFFF  }
0xaa: {  	s25 =	simm.s32 $_size_execute0_lowered;
	s1 =	sadd.s32 s1, s3;
	[dreg:$0x0] =	wrdreg $0x0  }
0xab: {  	s3 =	sshll.u32 s25, $0x1;
	[dreg:$0x2] =	wrdreg s1  }
0xac: {  	[dreg:$0x3] =	wrdreg s3  }
0xad: {  	[dreg:$0x4] =	wrdreg $0xC0  }
0xae: {  	_ =	task [dreg:s5], $0x5FFFF  }
0xaf: {  	[dreg:$0x1] =	wrdreg $0xFFFFFFFF  }
0xb0: {  	[dreg:$0x0] =	wrdreg $0x60  }
0xb1: {  	[dreg:$0x2] =	wrdreg s22  }
0xb2: {  	[dreg:$0x3] =	wrdreg s14  }
0xb3: {  	[dreg:$0x4] =	wrdreg $0x9  }
0xb4: {  	_ =	task.clear_ibuf [dreg:s5], $0x5FFFF;
	_ =	strace $0x90000049  }
0xb5: {  	s26 =	simm.s32 $0x9;
	_ =	strace $0x8000004B  }
0xb6: {  	_ =	swait.ge [sflag:s26], $0x1  }
0xb7: {  	[sflag:s26] =	ssyncadd.s32 $0xFFFFFFFF  }
0xb8: {  	_ =	strace $0x9000004B  }
0xb9: {  	_ =	sfence  }
0xba: {  	s28 =	sld [smem:$0x0];
	_ =	sdelay $0x1  }
0xbb: {  	s29 =	srdreg.scid  }
0xbc: {  	s30 =	sshll.u32 s29, $0xD;
	s31 =	sshrl.u32 s29, $0x2  }
0xbd: {  	s2 =	sand.u32 $0x4000, s30;
	s1 =	sand.u32 $0x1, s29;
	s0 =	sadd.s32 s31, s28  }
0xbe: {  	s1 =	sor.u32 s2, s1;
	s0 =	sshll.u32 s0, $0x11  }
0xbf: {  	s0 =	sor.u32 s0, s1  }
0xc0: {  	s0 =	sadd.s32 $0x8F2B, s0  }
0xc1: {  	[sflag:s0] =	ssyncadd.remote.s32 $0x1  }
0xc2: {  	_ =	sfence.sel $0xFFFF  }
0xc3: {  	[dreg:$0x0] =	wrdreg $0xFFFFFFFF;
	(pc) =	sbr.abs _section_cstart, $3  }
0xc4: {  	[dreg:$0x1] =	wrdreg $0xFFFFFFFF  }
0xc5: {  	_ =	task.clear_ibuf [dreg:s5], $0x2FFFF;
	_ =	strace $0x9FFFFFFF  }
0xc6: {  	(tm) =	ssettm $0x7FFFFFFF  }
0xc7: {  	_ =	shalt  }
tec
execute0_lowered:
.L_overlay_start_1:
0x0: {  	(tag) =	ssettag $0x1  }
0x1: {  	s1 =	rddreg [dreg:$0x0]  }
0x2: {  	s29 =	rddreg [dreg:$0x1];
	_ =	strace $0x8000004A;
	s0 =	simm.s32 $0x1  }
0x3: {  	s8 =	simm.s32 $0x108;
	v0 =	vimm.s32 $0x0;
	[sflag:s0] =	ssyncpa.u1 $0x0  }
0x4: {  	[tilespmem:s8+$0x70] =	vst v0  }
0x5: {  	[tilespmem:s8+$0x60] =	vst v0  }
0x6: {  	[tilespmem:s8+$0x50] =	vst v0  }
0x7: {  	[tilespmem:s8+$0x40] =	vst v0  }
0x8: {  	[tilespmem:s8+$0x30] =	vst v0  }
0x9: {  	[tilespmem:s8+$0x20] =	vst v0  }
0xa: {  	s2 =	simm.s32 $0x40;
	s4 =	sadd.s32 $0xF26600, s1;
	s5 =	sadd.s32 $0x53B400, s1;
	[tilespmem:s8+$0x10] =	vst v0  }
.LBB2_1:
0xb: {  	s2 =	sadd.s32 $0x40, s2;
	[tilespmem:s8+$0x0] =	vst v0;
	s8 =	sadd.s32 $0x80, s8  }
0xc: {  	p0 =	slt.u32 s2, $0x3C40;
	[tilespmem:s8+$0x70] =	vst v0  }
0xd: {  	[tilespmem:s8+$0x60] =	vst v0  }
.Ltmp0:
0xe: {  	[tilespmem:s8+$0x50] =	vst v0;
	(pc) =	sbr.rel @p0 .LBB2_1-.Ltmp0, $4  }
0xf: {  	[tilespmem:s8+$0x40] =	vst v0  }
0x10: {  	[tilespmem:s8+$0x30] =	vst v0  }
0x11: {  	[tilespmem:s8+$0x20] =	vst v0  }
0x12: {  	[tilespmem:s8+$0x10] =	vst v0  }
0x13: {  	s3 =	stileid.u32  }
0x14: {  	s0 =	simm.s32 $0x4FB0;
	s6 =	smul.u32 $0x50A0, s3;
	p0 =	seq.s32 s3, $0xF  }
0x15: {  	s0 =	simm.s32 @!p0 $0x50A0  }
0x16: {  	s0 =	sadd.s32 s6, s0  }
0x17: {  	s7 =	smin.u32 s0, $0x50910  }
0x18: {  	s0 =	ssub.s32 s7, s6  }
0x19: {  	p0 =	sgt.s32 s0, $0x0  }
0x1a: {  	s0 =	simm.s32 @!p0 $0x0  }
0x1b: {  	s2 =	simm.s32 $0x2;
	s9 =	simm.s32 $0x7;
	s31 =	smulhi.u32 $0x1111112, s0  }
0x1c: {  	s10 =	simm.s32 $0x8;
	s19 =	simm.s32 $0x0;
	s15 =	simm.s32 $0xA  }
0x1d: {  	s17 =	simm.s32 $0x0;
	s18 =	simm.s32 $0x0;
	s11 =	smul.u32 $0xF0, s31  }
.Ltmp1:
0x1e: {  	[tilespmem:s8+$0x0] =	vst v0;
	v0 =	vimm.s32 $0xFFFFFFFF;
	[sflag:s2] =	ssyncpa.u1 $0x0;
	s13 =	sshll.u32 s3, $0x8;
	(pc) =	sbr.rel .LBB2_3-.Ltmp1, $4  }
0x1f: {  	[tilespmem:$0xF208] =	vst v0;
	[sflag:s9] =	ssyncpa.u1 $0x0;
	p0 =	sne.s32 s0, s11;
	s0 =	simm.s32 $0x1  }
0x20: {  	[sflag:s10] =	ssyncpa.u1 $0x0;
	s10 =	simm.s32 $0x9;
	s0 =	simm.s32 @!p0 $0x0  }
0x21: {  	s16 =	smov.u32 s6;
	[sflag:s10] =	ssyncpa.u1 $0x0;
	s12 =	sadd.s32 s0, s31  }
0x22: {  	v0 =	vlaneseq.u32;
	s11 =	simm.s32 $0x1;
	p0 =	por $0x0, $0x0;
	s14 =	sadd.s32 $0x1, s12  }
.LBB2_18:
0x23: {  	s0 =	sshrl.u32 s28, $0x2  }
.LBB2_20:
0x24: {  	_ =	swait.ge [sflag:s15], s0  }
0x25: {  	s31 =	ssub.s32 $0x0, s0;
	v1 =	vmov s21;
	vm0 =	veq.s32 v0, $0x0;
	[sflag:s15] =	ssyncset.done $0x0  }
0x26: {  	vm15 =	veq.s32 v0, $0x2;
	v1 =	vsel vm0, s26, v1;
	[sflag:s15] =	ssyncadd.s32 s31  }
0x27: {  	v1 =	vsel vm15, s19, v1;
	[sflag:s15] =	ssyncpa.u1 $0x1  }
0x28: {  	[tilespmem:$0xF208] =	vst v1  }
.LBB2_21:
0x29: {  	s0 =	sadd.s32 $0xF0, s16  }
0x2a: {  	s2 =	smov.u32 s6;
	p1 =	slt.s32 s0, s7  }
0x2b: {  	s2 =	smov.u32 @p1 s0;
	p1 =	sne.s32 s18, s14  }
.Ltmp2:
0x2c: {  	_ = 	snop;
	(pc) =	sbr.rel @!p1 .LBB2_22-.Ltmp2, $3  }
0x2d: {  	_ =	sdelay $0x1  }
0x2e: {  	s19 =	smov.u32 s17;
	s31 =	sadd.s32 $0x1, s18;
	s17 =	smov.u32 s16  }
0x2f: {  	p0 =	por !p0, !p0;
	s18 =	smov.u32 s31;
	s16 =	smov.u32 s2  }
.LBB2_3:
0x30: {  	p1 =	sge.u32 s18, s12  }
0x31: {  	s0 =	smulhi.u32 @!p1 $0xAAAAAAAB, s18  }
0x32: {  	s2 =	smov.u32 s16;
	p2 =	sgt.s32 @!p1 s16, $0x50820  }
0x33: {  	s20 =	sshra.s32 @!p1 s16, $0x1F;
	p2 =	por !p2, p1;
	s0 =	sshrl.u32 @!p1 s0, $0x1  }
0x34: {  	s20 =	sand.u32 @!p1 s20, s16;
	s2 =	simm.s32 @p2 $0x50820;
	s0 =	smul.u32 @!p1 $0x3, s0  }
0x35: {  	s2 =	ssub.s32 @!p1 s2, s20  }
0x36: {  	s2 =	sadd.s32 @!p1 $0xFFFAF7E0, s2;
	s0 =	ssub.s32 @!p1 s18, s0  }
0x37: {  	s20 =	sshll.u32 @!p1 s2, $0x2;
	p2 =	sgt.s32 @!p1 s2, $0xEF;
	s0 =	smul.u32 @!p1 $0x3C0, s0  }
0x38: {  	s21 =	sand.u32 @!p1 $0x7, s16;
	s2 =	ssub.s32 @!p1 $0x3C0, s20;
	p2 =	por !p2, p1  }
0x39: {  	s20 =	sshrl.u32 @!p1 s16, $0x3;
	s2 =	sshrl.u32 @!p1 s2, $0x2;
	s0 =	sshrl.u32 @!p1 s0, $0x2  }
0x3a: {  	s20 =	sadd.s32 @!p1 s5, s20;
	s2 =	simm.s32 @!p2 $0x0;
	s0 =	sadd.s32 @!p1 $0x10238, s0  }
0x3b: {  	[tilespmem:s0], [sflag:$0x8] =	stream.linear.gather @!p1 [hbm4b:s20+s21], s2, $0x38;
	[tilespmem:$0x1F6E8] =	vst v63  }
0x3c: {  	s0 =	sadd.s32 $0xFFFFFFFF, s18  }
0x3d: {  	p1 =	sge.u32 s0, s12  }
0x3e: {  	p2 =	sgt.s32 @!p1 s17, $0x50820  }
0x3f: {  	s2 =	smov.u32 s17;
	s20 =	sshra.s32 @!p1 s17, $0x1F;
	p2 =	por !p2, p1  }
0x40: {  	s20 =	sand.u32 @!p1 s20, s17;
	s2 =	simm.s32 @p2 $0x50820  }
0x41: {  	s2 =	ssub.s32 @!p1 s2, s20  }
0x42: {  	s2 =	sadd.s32 @!p1 $0xFFFAF7E0, s2  }
0x43: {  	s21 =	smulhi.u32 @!p1 $0xAAAAAAAB, s0;
	s22 =	sand.u32 @!p1 $0x1, s0;
	s20 =	sshll.u32 @!p1 s2, $0x2  }
0x44: {  	s24 =	smul.u32 @!p1 $0x3C0, s22;
	p2 =	sgt.s32 @!p1 s2, $0xEF;
	s2 =	ssub.s32 @!p1 $0x3C0, s20  }
0x45: {  	p2 =	por !p2, p1;
	s20 =	sshrl.u32 @!p1 s21, $0x1;
	s2 =	sshrl.u32 @!p1 s2, $0x2  }
0x46: {  	s21 =	simm.s32 @!p1 $0x8;
	s20 =	smul.u32 @!p1 $0x3, s20;
	s2 =	simm.s32 @!p2 $0x0  }
0x47: {  	s22 =	smul.u32 @!p1 $0x1E000, s22;
	_ =	swait.ge @!p1 [sflag:s21], s2;
	s23 =	ssub.s32 @!p1 $0x0, s2  }
0x48: {  	s0 =	ssub.s32 @!p1 s0, s20;
	s20 =	sshrl.u32 @!p1 s17, $0x3;
	[sflag:s21] =	ssyncset.done @!p1 $0x0  }
0x49: {  	s20 =	sadd.s32 @!p1 s29, s20;
	[sflag:s21] =	ssyncadd.s32 @!p1 s23;
	s21 =	sshrl.u32 @!p1 s24, $0x2  }
0x4a: {  	s0 =	smul.u32 @!p1 $0x3C0, s0;
	s23 =	sand.u32 @!p1 $0x7, s17;
	s21 =	sor.u32 @!p1 $0x10508, s21  }
0x4b: {  	[tilespmem:s21], [sflag:$0x9] =	stream.linear.gather @!p1 [hbm4b:s20+s23], s2, $0x38;
	[tilespmem:$0x1F6E8] =	vst v63  }
0x4c: {  	s0 =	sshrl.u32 @!p1 s0, $0x2;
	s2 =	sshrl.u32 @!p1 s22, $0x2  }
0x4d: {  	s0 =	sadd.s32 @!p1 $0x10238, s0;
	s20 =	simm.s32 @!p1 $0xF0;
	s2 =	sor.u32 @!p1 $0x106E8, s2  }
0x4e: {  	[tilespmem:s2], [sflag:$0x7] =	stream.indirect.gather @!p1 [hbm4b:s4+s20], $0x80, s0, s20, $0xb8;
	[tilespmem:$0x1F6E8] =	vst v63  }
0x4f: {  	p1 =	slt.u32 s18, $0x2  }
.Ltmp3:
0x50: {  	_ = 	snop;
	(pc) =	sbr.rel @p1 .LBB2_21-.Ltmp3, $1  }
0x51: {  	_ =	sdelay $0x3  }
0x52: {  	p1 =	sgt.s32 s19, $0x50820;
	s0 =	smov.u32 s19;
	s2 =	sshra.s32 s19, $0x1F  }
0x53: {  	s0 =	simm.s32 @!p1 $0x50820;
	s2 =	sand.u32 s2, s19  }
0x54: {  	s0 =	ssub.s32 s0, s2  }
0x55: {  	s0 =	sadd.s32 $0xFFFAF7E0, s0  }
0x56: {  	s30 =	sshll.u32 s0, $0x2  }
0x57: {  	_ =	swait.ge [sflag:s9], $0x7800;
	s2 =	ssub.s32 $0x3C0, s30  }
0x58: {  	[sflag:s9] =	ssyncset.done $0x0;
	p1 =	sgt.s32 s0, $0xEF;
	s0 =	sshrl.u32 s2, $0x2  }
0x59: {  	[sflag:s9] =	ssyncadd.s32 $0xFFFF8800;
	s0 =	simm.s32 @p1 $0x0  }
0x5a: {  	_ =	swait.ge [sflag:s10], s0  }
0x5b: {  	s0 =	ssub.s32 $0x0, s0;
	[sflag:s10] =	ssyncset.done $0x0  }
0x5c: {  	[sflag:s10] =	ssyncadd.s32 s0  }
0x5d: {  	v1 =	vld [tilespmem:$0xF208];
	_ =	sdelay $0x4  }
0x5e: {  	(v2sf) =	vpush v1, $0x0  }
0x5f: {  	(v2sf) =	vpush v1, $0x1  }
0x60: {  	(v2sf) =	vpush v1, $0x2;
	_ =	sdelay $0x3  }
0x61: {  	s0 =	sadd.s32 $0xF0, s19  }
0x62: {  	s2 =	ssub.s32 $0x50910, s19;
	p1 =	slt.s32 s7, s0  }
0x63: {  	s0 =	smov.u32 @p1 s7;
	p1 =	sgt.s32 s2, $0x0  }
0x64: {  	s23 =	ssub.s32 s0, s19;
	s2 =	simm.s32 @!p1 $0x0  }
0x65: {  	p1 =	slt.s32 s2, s23  }
0x66: {  	s23 =	smov.u32 @p1 s2  }
0x67: {  	s22 =	simm.s32 $0x1;
	p1 =	slt.s32 s23, $0x1  }
.Ltmp4:
0x68: {  	s22 =	simm.s32 @!p0 $0x0;
	(pc) =	sbr.rel @p1 .LBB2_8-.Ltmp4, $4  }
0x69: {  	s31 =	smul.u32 $0x3C0, s22  }
0x6a: {  	s24 =	spop (v2sf)  }
0x6b: {  	s0 =	sshrl.u32 s31, $0x2;
	s26 =	spop (v2sf)  }
0x6c: {  	s20 =	sor.u32 $0x10508, s0;
	s19 =	spop (v2sf)  }
0x6d: {  	s0 =	smin.u32 s23, $0x10  }
0x6e: {  	v1 =	vmov s0  }
0x6f: {  	p2 =	sgt.s32 s23, $0x10;
	vm1 =	vgt.u32 v1, v0  }
.Ltmp5:
0x70: {  	_ = 	snop;
	(pc) =	sbr.rel @!p2 .LBB2_7-.Ltmp5, $2  }
0x71: {  	_ =	sdelay $0x2  }
0x72: {  	s25 =	simm.s32 $0x10;
	s28 =	sadd.s32 $0xFFFFFFF0, s23;
	s21 =	smov.u32 s20;
	vm0 =	vmmov vm1  }
.LBB2_6:
0x73: {  	s0 =	smin.u32 s28, $0x10;
	s25 =	sadd.s32 $0x10, s25;
	v1 =	vld.msk [tilespmem:s21+$0x0 ss:$0x1], vm1  }
0x74: {  	v2 =	vmov s0;
	p2 =	slt.s32 s25, s23  }
0x75: {  	vm1 =	vgt.u32 v2, v0  }
.Ltmp6:
0x76: {  	(pc) =	sbr.rel @p2 .LBB2_6-.Ltmp6, $3  }
0x77: {  	_ =	sdelay $0x1  }
0x78: {  	v1 =	vshll.u32 v1, $0x4  }
0x79: {  	s28 =	sadd.s32 $0xFFFFFFF0, s28;
	[tilespmem:s21+$0x0] =	vst.msk vm0, v1;
	s21 =	sadd.s32 $0x10, s21;
	vm0 =	vmmov vm1  }
.LBB2_7:
0x7a: {  	_ =	sdelay $0x4  }
0x7b: {  	v1 =	vld.msk [tilespmem:s21+$0x0 ss:$0x1], vm1;
	_ =	sdelay $0x4  }
0x7c: {  	v1 =	vshll.u32 v1, $0x4  }
0x7d: {  	[tilespmem:s21+$0x0] =	vst.msk vm0, v1  }
.LBB2_8:
0x7e: {  	s0 =	sand.u32 $0x1, s18  }
0x7f: {  	s0 =	smul.u32 $0xF0, s0  }
0x80: {  	p2 =	sne.s32 s26, $0xFFFFFFFF  }
0x81: {  	v1 =	vld.msk @!p2 [tilespmem:s0+$0x10508], $0x1;
	_ =	sdelay $0x4  }
0x82: {  	(v2sf) =	vpush @!p2 v1, $0x0;
	_ =	sdelay $0xc  }
.Ltmp7:
0x83: {  	_ = 	snop;
	(pc) =	sbr.rel @p1 .LBB2_19-.Ltmp7, $4  }
0x84: {  	_ = 	snop  }
0x85: {  	s25 =	spop @!p2 (v2sf)  }
0x86: {  	s19 =	simm.s32 @!p2 $0x0;
	s21 =	smov.u32 s25  }
0x87: {  	[sflag:s15] =	ssyncpa.u1 $0x0;
	s25 =	smov.u32 @p2 s24;
	s21 =	smov.u32 @p2 s26  }
0x88: {  	v1 =	vld.msk [tilespmem:s20+$0x0], $0x1;
	_ =	sdelay $0x4  }
0x89: {  	(v2sf) =	vpush v1, $0x0;
	_ =	sdelay $0xe  }
0x8a: {  	s8 =	smov.u32 s29;
	s0 =	smul.u32 $0x1E000, s22;
	s29 =	spop (v2sf)  }
0x8b: {  	s23 =	ssub.s32 $0x0, s23;
	p1 =	seq.s32 s25, s29  }
0x8c: {  	s26 =	sadd.s32 $0x1, s23;
	s0 =	sshrl.u32 s0, $0x2;
	p2 =	sgt.s32 @!p1 s25, $0x0  }
0x8d: {  	s22 =	sor.u32 $0x10728, s0;
	s0 =	smov.u32 s25;
	p2 =	por !p2, p1  }
0x8e: {  	s0 =	simm.s32 @p2 $0x0;
	p2 =	seq.s32 s26, $0x0  }
.Ltmp8:
0x8f: {  	_ = 	snop;
	(pc) =	sbr.rel @p2 .LBB2_11-.Ltmp8, $4  }
0x90: {  	_ = 	snop  }
0x91: {  	s24 =	simm.s32 $0x0;
	s28 =	sadd.s32 $0x1, s20;
	s0 =	smin.u32 @!p1 s0, $0x270F0  }
0x92: {  	s30 =	simm.s32 @!p1 $0x1;
	s31 =	simm.s32 @!p1 $0x7988;
	s2 =	sand.u32 @!p1 $0x3FFF8, s0  }
0x93: {  	s30 =	smov.u32 @p1 s24;
	s0 =	sand.u32 @!p1 $0x7, s0;
	s2 =	sadd.s32 @!p1 s1, s2  }
.LBB2_10:
0x94: {  	s3 =	smov.u32 s30  }
0x95: {  	[tilespmem:s31], [sflag:$0x2] =	stream.linear.gather @!p1 [hbm4b:s2+s0], $0x80, $0x38;
	[tilespmem:$0x1F6E8] =	vst v63  }
0x96: {  	s26 =	sadd.s32 $0x1, s26;
	s0 =	smov.u32 s29;
	v1 =	vld.msk [tilespmem:s28+$0x0], $0x1  }
0x97: {  	p2 =	seq.s32 s26, $0x0;
	_ =	sdelay $0x3  }
0x98: {  	(v2sf) =	vpush v1, $0x0;
	_ =	sdelay $0xe  }
0x99: {  	s29 =	spop (v2sf)  }
0x9a: {  	p1 =	seq.s32 s0, s29  }
0x9b: {  	p3 =	sgt.s32 @!p1 s0, $0x0;
	s2 =	sshll.u32 @!p1 s30, $0x9;
	s30 =	sadd.s32 @!p1 $0x1, s30  }
.Ltmp9:
0x9c: {  	p3 =	por !p3, p1;
	s2 =	sshra.s32 @!p1 s2, $0x2;
	(pc) =	sbr.rel @!p2 .LBB2_10-.Ltmp9, $4  }
0x9d: {  	s30 =	smov.u32 @p1 s3;
	s0 =	simm.s32 @p3 $0x0;
	s31 =	sadd.s32 @!p1 $0x7988, s2  }
0x9e: {  	s0 =	smin.u32 @!p1 s0, $0x270F0  }
0x9f: {  	s2 =	sand.u32 @!p1 $0x3FFF8, s0;
	s0 =	sand.u32 @!p1 $0x7, s0  }
0xa0: {  	s28 =	sadd.s32 $0x1, s28;
	s2 =	sadd.s32 @!p1 s1, s2  }
.LBB2_11:
0xa1: {  	[tilespmem:s31], [sflag:$0x2] =	stream.linear.gather @!p1 [hbm4b:s2+s0], $0x80, $0x38;
	[tilespmem:$0x1F6E8] =	vst v63  }
.Ltmp10:
0xa2: {  	s30 =	sshll.u32 s30, $0x7;
	(pc) =	sbr.rel .LBB2_12-.Ltmp10, $4  }
0xa3: {  	s31 =	simm.s32 $0x2;
	s0 =	sand.u32 $0x3FFFFF80, s30  }
0xa4: {  	_ =	swait.ge [sflag:s31], s0  }
0xa5: {  	s0 =	ssub.s32 $0x0, s0;
	[sflag:s31] =	ssyncset.done $0x0  }
0xa6: {  	s28 =	simm.s32 $0x0;
	s29 =	smov.u32 s8;
	[sflag:s31] =	ssyncadd.s32 s0  }
.LBB2_13:
0xa7: {  	v1 =	vld [tilespmem:s22+$0xFFFFFFC0];
	_ =	sdelay $0x3  }
0xa8: {  	s0 =	sshra.s32 s0, $0x2  }
0xa9: {  	[tilespmem:s0+$0x108] =	vst.add.f32.msk $0xffff, v1  }
0xaa: {  	v1 =	vld [tilespmem:s22+$0xFFFFFFD0];
	_ =	sdelay $0x4  }
0xab: {  	[tilespmem:s0+$0x118] =	vst.add.f32.msk $0xffff, v1  }
0xac: {  	v1 =	vld [tilespmem:s22+$0xFFFFFFE0];
	_ =	sdelay $0x4  }
0xad: {  	[tilespmem:s0+$0x128] =	vst.add.f32.msk $0xffff, v1  }
0xae: {  	v1 =	vld [tilespmem:s22+$0xFFFFFFF0];
	_ =	sdelay $0x4  }
0xaf: {  	[tilespmem:s0+$0x138] =	vst.add.f32.msk $0xffff, v1  }
0xb0: {  	v1 =	vld [tilespmem:s22+$0x0];
	_ =	sdelay $0x4  }
0xb1: {  	[tilespmem:s0+$0x148] =	vst.add.f32.msk $0xffff, v1  }
0xb2: {  	v1 =	vld [tilespmem:s22+$0x10];
	_ =	sdelay $0x4  }
0xb3: {  	[tilespmem:s0+$0x158] =	vst.add.f32.msk $0xffff, v1  }
0xb4: {  	v1 =	vld [tilespmem:s22+$0x20];
	_ =	sdelay $0x4  }
0xb5: {  	[tilespmem:s0+$0x168] =	vst.add.f32.msk $0xffff, v1  }
0xb6: {  	v1 =	vld [tilespmem:s22+$0x30];
	_ =	sdelay $0x4  }
0xb7: {  	[tilespmem:s0+$0x178] =	vst.add.f32.msk $0xffff, v1  }
.LBB2_17:
0xb8: {  	s23 =	sadd.s32 $0x1, s23  }
0xb9: {  	p1 =	seq.s32 s23, $0x0  }
.Ltmp11:
0xba: {  	_ = 	snop;
	(pc) =	sbr.rel @p1 .LBB2_18-.Ltmp11, $2  }
0xbb: {  	_ =	sdelay $0x2  }
0xbc: {  	s20 =	sadd.s32 $0x1, s20;
	s22 =	sadd.s32 $0x80, s22;
	s25 =	smov.u32 s26  }
.LBB2_12:
0xbd: {  	v1 =	vld.msk [tilespmem:s20+$0x0], $0x1;
	_ =	sdelay $0x4  }
0xbe: {  	(v2sf) =	vpush v1, $0x0;
	_ =	sdelay $0xe  }
0xbf: {  	s26 =	spop (v2sf)  }
0xc0: {  	p1 =	sne.s32 s25, s26  }
.Ltmp12:
0xc1: {  	_ = 	snop;
	(pc) =	sbr.rel @!p1 .LBB2_13-.Ltmp12, $2  }
0xc2: {  	_ =	sdelay $0x2  }
0xc3: {  	s0 =	sshll.u32 s19, $0x9  }
0xc4: {  	p1 =	seq.s32 s25, s21  }
.Ltmp13:
0xc5: {  	_ = 	snop;
	(pc) =	sbr.rel @!p1 .LBB2_15-.Ltmp13, $1  }
0xc6: {  	_ =	sdelay $0x3  }
0xc7: {  	s0 =	sshra.s32 s0, $0x2  }
.Ltmp14:
0xc8: {  	s0 =	sadd.s32 $0x108, s0;
	(pc) =	sbr.rel .LBB2_16-.Ltmp14, $4  }
0xc9: {  	[spmem:s13] =	stream.linear.scatter [tilespmem:s0], [sflag:$0x1], $0x80, $0x38;
	[tilespmem:$0x1F6E8] =	vst v63  }
0xca: {  	_ =	swait.ge [sflag:s11], $0x80  }
0xcb: {  	[sflag:s11] =	ssyncset.done $0x0  }
0xcc: {  	[sflag:s11] =	ssyncadd.s32 $0xFFFFFF80  }
.LBB2_15:
0xcd: {  	s2 =	sshll.u32 s24, $0x9  }
0xce: {  	s2 =	sshra.s32 s2, $0x2  }
0xcf: {  	v1 =	vld [tilespmem:s2+$0x7988];
	_ =	sdelay $0x3  }
0xd0: {  	s0 =	sshra.s32 s0, $0x2  }
0xd1: {  	[tilespmem:s0+$0x108] =	vst.add.f32.msk $0xffff, v1  }
0xd2: {  	v1 =	vld [tilespmem:s2+$0x7998];
	_ =	sdelay $0x4  }
0xd3: {  	[tilespmem:s0+$0x118] =	vst.add.f32.msk $0xffff, v1  }
0xd4: {  	v1 =	vld [tilespmem:s2+$0x79A8];
	_ =	sdelay $0x4  }
0xd5: {  	[tilespmem:s0+$0x128] =	vst.add.f32.msk $0xffff, v1  }
0xd6: {  	v1 =	vld [tilespmem:s2+$0x79B8];
	_ =	sdelay $0x4  }
0xd7: {  	[tilespmem:s0+$0x138] =	vst.add.f32.msk $0xffff, v1  }
0xd8: {  	v1 =	vld [tilespmem:s2+$0x79C8];
	_ =	sdelay $0x4  }
0xd9: {  	[tilespmem:s0+$0x148] =	vst.add.f32.msk $0xffff, v1  }
0xda: {  	v1 =	vld [tilespmem:s2+$0x79D8];
	_ =	sdelay $0x4  }
0xdb: {  	[tilespmem:s0+$0x158] =	vst.add.f32.msk $0xffff, v1  }
0xdc: {  	v1 =	vld [tilespmem:s2+$0x79E8];
	_ =	sdelay $0x4  }
0xdd: {  	[tilespmem:s0+$0x168] =	vst.add.f32.msk $0xffff, v1  }
0xde: {  	v1 =	vld [tilespmem:s2+$0x79F8];
	_ =	sdelay $0x2  }
0xdf: {  	p1 =	sgt.u32 s25, $0x270F0  }
0xe0: {  	s2 =	sand.u32 @!p1 $0x3FFF8, s25  }
0xe1: {  	s3 =	sadd.s32 $0x108, s0;
	[tilespmem:s0+$0x178] =	vst.add.f32.msk $0xffff, v1;
	s0 =	sadd.s32 @!p1 s1, s2;
	s2 =	sand.u32 @!p1 $0x7, s25  }
0xe2: {  	[hbm4b:s0+s2] =	stream.linear.scatter @!p1 [tilespmem:s3], [sflag:$0xA], $0x80, $0x38;
	[tilespmem:$0x1F6E8] =	vst v63  }
0xe3: {  	s0 =	simm.s32 $0x0  }
0xe4: {  	s0 =	simm.s32 @!p1 $0x200  }
0xe5: {  	s28 =	sadd.s32 s0, s28  }
.LBB2_16:
0xe6: {  	s0 =	sadd.s32 $0x1, s19  }
0xe7: {  	s2 =	smulhi.u32 $0x88888889, s0;
	_ =	sdelay $0x1  }
0xe8: {  	v1 =	vld [tilespmem:s22+$0xFFFFFFC0];
	s2 =	sshrl.u32 s2, $0x7  }
0xe9: {  	s2 =	smul.u32 $0xF0, s2;
	_ =	sdelay $0x1  }
0xea: {  	s19 =	ssub.s32 s0, s2  }
0xeb: {  	s0 =	sshll.u32 s19, $0x7  }
0xec: {  	[tilespmem:s0+$0x108] =	vst v1  }
0xed: {  	v1 =	vld [tilespmem:s22+$0xFFFFFFD0];
	_ =	sdelay $0x4  }
0xee: {  	[tilespmem:s0+$0x118] =	vst v1  }
0xef: {  	v1 =	vld [tilespmem:s22+$0xFFFFFFE0];
	_ =	sdelay $0x4  }
0xf0: {  	[tilespmem:s0+$0x128] =	vst v1  }
0xf1: {  	v1 =	vld [tilespmem:s22+$0xFFFFFFF0];
	_ =	sdelay $0x4  }
0xf2: {  	[tilespmem:s0+$0x138] =	vst v1  }
0xf3: {  	v1 =	vld [tilespmem:s22+$0x0];
	_ =	sdelay $0x4  }
0xf4: {  	[tilespmem:s0+$0x148] =	vst v1  }
0xf5: {  	v1 =	vld [tilespmem:s22+$0x10];
	_ =	sdelay $0x4  }
0xf6: {  	[tilespmem:s0+$0x158] =	vst v1  }
0xf7: {  	v1 =	vld [tilespmem:s22+$0x20];
	_ =	sdelay $0x4  }
0xf8: {  	[tilespmem:s0+$0x168] =	vst v1  }
0xf9: {  	v1 =	vld [tilespmem:s22+$0x30]  }
.Ltmp15:
0xfa: {  	_ = 	snop;
	(pc) =	sbr.rel .LBB2_17-.Ltmp15, $2  }
0xfb: {  	_ =	sdelay $0x2  }
0xfc: {  	s24 =	sadd.s32 $0x1, s24;
	[tilespmem:s0+$0x178] =	vst v1  }
.LBB2_19:
.Ltmp16:
0xfd: {  	(pc) =	sbr.rel .LBB2_20-.Ltmp16, $4  }
0xfe: {  	_ = 	snop  }
0xff: {  	s0 =	simm.s32 $0x2  }
0x100: {  	_ =	swait.ge [sflag:s0], $0x0  }
0x101: {  	s26 =	smov.u32 s25;
	[sflag:s0] =	ssyncset.done $0x0;
	s0 =	simm.s32 $0x0  }
.LBB2_22:
0x102: {  	_ =	sfence.sel $0x180000  }
0x103: {  	s0 =	simm.s32 $0x7;
	[bflag:$0x0] =	sbarrier.arrive $0xFFFF  }
0x104: {  	s25 =	simm.s32 $0x8;
	[sflag:s0] =	ssyncpa.u1 $0x1  }
0x105: {  	s26 =	simm.s32 $0x9;
	[sflag:s25] =	ssyncpa.u1 $0x1  }
0x106: {  	s28 =	simm.s32 $0x2;
	[sflag:s26] =	ssyncpa.u1 $0x1  }
0x107: {  	[sflag:s28] =	ssyncpa.u1 $0x1  }
0x108: {  	v0 =	vld [tilespmem:$0xF208];
	_ =	sdelay $0x4  }
0x109: {  	(v2sf) =	vpush v0, $0x0  }
0x10a: {  	(v2sf) =	vpush v0, $0x1;
	_ =	sdelay $0x1  }
0x10b: {  	(v2sf) =	vpush v0, $0x2;
	_ =	sdelay $0xb  }
0x10c: {  	s0 =	spop (v2sf)  }
0x10d: {  	s2 =	spop (v2sf)  }
0x10e: {  	s3 =	smov.u32 s0;
	p0 =	sne.s32 s0, s2  }
0x10f: {  	s4 =	spop (v2sf);
	s3 =	simm.s32 @!p0 $0xFFFFFFFF  }
0x110: {  	v2 =	vimm.s32 $0x1;
	v3 =	vlaneseq.u32;
	p0 =	seq.s32 s4, $0xFFFFFFFF;
	v1 =	vmov s3  }
0x111: {  	s7 =	stileid.u32;
	v0 =	vperm.xlane v0, v2;
	p1 =	sne.s32 @!p0 s0, s2;
	v1 =	vperm.xlane v1, v3  }
0x112: {  	vm0 =	vcmask $0x3F04;
	s6 =	simm.s32 $0xF208;
	s0 =	simm.s32 @!p0 $0x1;
	p1 =	por !p1, p0  }
0x113: {  	s3 =	sshll.u32 s7, $0x1;
	s2 =	sshll.u32 @!p0 s4, $0x9;
	s0 =	simm.s32 @p1 $0x0;
	v0 =	vsel vm0, v1, v0  }
0x114: {  	s5 =	sor.u32 $0x1000, s3;
	s2 =	sshra.s32 @!p0 s2, $0x2;
	s0 =	sor.u32 @!p0 s0, s3;
	[tilespmem:$0xF208] =	vst v0  }
0x115: {  	[spmem:s5] =	stream.linear.scatter [tilespmem:s6], [sflag:$0x1], $0x2, $0x38;
	[tilespmem:$0x1F6E8] =	vst v63  }
0x116: {  	s2 =	sadd.s32 @!p0 $0x108, s2;
	s0 =	sshll.u32 @!p0 s0, $0x7  }
0x117: {  	[spmem:s0] =	stream.linear.scatter @!p0 [tilespmem:s2], [sflag:$0x1], $0x80, $0x38;
	[tilespmem:$0x1F6E8] =	vst v63  }
0x118: {  	s0 =	simm.s32 @!p0 $0x82  }
0x119: {  	s3 =	simm.s32 $0x1;
	s0 =	simm.s32 @p0 $0x2  }
0x11a: {  	_ =	swait.ge [sflag:s3], s0  }
0x11b: {  	s0 =	ssub.s32 $0x0, s0;
	[sflag:s3] =	ssyncset.done $0x0  }
0x11c: {  	[sflag:s3] =	ssyncadd.s32 s0  }
0x11d: {  	_ =	sfence.stream.spmem  }
0x11e: {  	s29 =	simm.s32 $0x3;
	[bflag:$0x0] =	sbarrier.arrive $0xFFFF  }
0x11f: {  	s30 =	simm.s32 $0x4;
	[sflag:s29] =	ssyncpa.u1 $0x1  }
0x120: {  	s31 =	simm.s32 $0x3C;
	[sflag:s30] =	ssyncpa.u1 $0x1  }
0x121: {  	p0 =	sne.s32 s7, $0x0;
	[sflag:s31] =	ssyncpa.u1 $0x1  }
0x122: {  	_ =	sfence @p0  }
0x123: {  	[sflag:s3] =	ssyncpa.u1 @p0 $0x1  }
0x124: {  	_ =	strace @p0 $0x9000004A  }
0x125: {  	[bflag:$0x2] =	sbarrier.arrive @p0 $0xFFFF  }
0x126: {  	_ =	shalt @p0  }
.LBB2_23:
0x127: {  	_ =	sfence.stream.spmem;
	s0 =	simm.s32 $0x5  }
0x128: {  	s2 =	simm.s32 $0x1000;
	s3 =	simm.s32 $0xF218;
	[sflag:s0] =	ssyncpa.u1 $0x0  }
0x129: {  	[tilespmem:s3], [sflag:$0x5] =	stream.linear.gather [spmem:s2], $0x20, $0x38;
	[tilespmem:$0x1F6E8] =	vst v63  }
0x12a: {  	s30 =	simm.s32 $0xF238;
	s2 =	simm.s32 $0x0  }
0x12b: {  	[tilespmem:s30], [sflag:$0x5] =	stream.linear.gather [spmem:s2], $0x1000, $0x38;
	[tilespmem:$0x1F6E8] =	vst v63  }
.Ltmp17:
0x12c: {  	_ = 	snop;
	(pc) =	sbr.rel .LBB2_24-.Ltmp17, $4  }
0x12d: {  	_ =	swait.ge [sflag:s0], $0x1020  }
0x12e: {  	[sflag:s0] =	ssyncset.done $0x0  }
0x12f: {  	s31 =	simm.s32 $0x6;
	[sflag:s0] =	ssyncadd.s32 $0xFFFFEFE0  }
0x130: {  	s3 =	simm.s32 $0x0;
	[sflag:s31] =	ssyncpa.u1 $0x0  }
.LBB2_30:
0x131: {  	p0 =	slt.u32 s4, $0x270F1  }
0x132: {  	s0 =	sand.u32 @p0 $0x3FFF8, s4  }
0x133: {  	s4 =	sand.u32 @p0 $0x7, s4;
	s5 =	simm.s32 @p0 $0xF188;
	s0 =	sadd.s32 @p0 s1, s0  }
0x134: {  	[tilespmem:s5], [sflag:$0x6] =	stream.linear.gather @p0 [hbm4b:s0+s4], $0x80, $0x38;
	[tilespmem:$0x1F6E8] =	vst v63  }
0x135: {  	s0 =	simm.s32 @p0 $0x6  }
0x136: {  	_ =	swait.ge @p0 [sflag:s0], $0x80  }
0x137: {  	[sflag:s0] =	ssyncset.done @p0 $0x0  }
0x138: {  	[sflag:s0] =	ssyncadd.s32 @p0 $0xFFFFFF80  }
0x139: {  	v1 =	vld @p0 [tilespmem:$0xF188];
	_ =	sdelay $0x2  }
0x13a: {  	s0 =	sshll.u32 @p0 s3, $0x9  }
0x13b: {  	s4 =	sshrl.u32 @p0 s0, $0x2  }
0x13c: {  	[tilespmem:s4+$0xF238] =	vst.add.f32.msk @p0 $0xffff, v1  }
0x13d: {  	v1 =	vld @p0 [tilespmem:$0xF198];
	_ =	sdelay $0x4  }
0x13e: {  	[tilespmem:s4+$0xF248] =	vst.add.f32.msk @p0 $0xffff, v1  }
0x13f: {  	v1 =	vld @p0 [tilespmem:$0xF1A8];
	_ =	sdelay $0x4  }
0x140: {  	[tilespmem:s4+$0xF258] =	vst.add.f32.msk @p0 $0xffff, v1  }
0x141: {  	v1 =	vld @p0 [tilespmem:$0xF1B8];
	_ =	sdelay $0x4  }
0x142: {  	[tilespmem:s4+$0xF268] =	vst.add.f32.msk @p0 $0xffff, v1  }
0x143: {  	v1 =	vld @p0 [tilespmem:$0xF1C8];
	_ =	sdelay $0x4  }
0x144: {  	[tilespmem:s4+$0xF278] =	vst.add.f32.msk @p0 $0xffff, v1  }
0x145: {  	v1 =	vld @p0 [tilespmem:$0xF1D8];
	_ =	sdelay $0x4  }
0x146: {  	[tilespmem:s4+$0xF288] =	vst.add.f32.msk @p0 $0xffff, v1  }
0x147: {  	v1 =	vld @p0 [tilespmem:$0xF1E8];
	_ =	sdelay $0x4  }
0x148: {  	[tilespmem:s4+$0xF298] =	vst.add.f32.msk @p0 $0xffff, v1  }
0x149: {  	v1 =	vld @p0 [tilespmem:$0xF1F8];
	_ =	sdelay $0x3  }
0x14a: {  	s5 =	sshll.u32 @!p0 s3, $0x9  }
0x14b: {  	s5 =	smov.u32 @p0 s0;
	[tilespmem:s4+$0xF2A8] =	vst.add.f32.msk @p0 $0xffff, v1  }
0x14c: {  	s0 =	sshrl.u32 s5, $0x2;
	[tilespmem:s2+$0xF218] =	vst.msk $0x1, v0  }
0x14d: {  	v0 =	vld [tilespmem:s0+$0xF238];
	_ =	sdelay $0x2  }
0x14e: {  	s31 =	sshll.u32 s2, $0x9  }
0x14f: {  	s4 =	sshra.s32 s31, $0x2  }
0x150: {  	[tilespmem:s4+$0xF238] =	vst v0  }
0x151: {  	v0 =	vld [tilespmem:s0+$0xF248];
	_ =	sdelay $0x4  }
0x152: {  	[tilespmem:s4+$0xF248] =	vst v0  }
0x153: {  	v0 =	vld [tilespmem:s0+$0xF258];
	_ =	sdelay $0x4  }
0x154: {  	[tilespmem:s4+$0xF258] =	vst v0  }
0x155: {  	v0 =	vld [tilespmem:s0+$0xF268];
	_ =	sdelay $0x4  }
0x156: {  	[tilespmem:s4+$0xF268] =	vst v0  }
0x157: {  	v0 =	vld [tilespmem:s0+$0xF278];
	_ =	sdelay $0x4  }
0x158: {  	[tilespmem:s4+$0xF278] =	vst v0  }
0x159: {  	v0 =	vld [tilespmem:s0+$0xF288];
	_ =	sdelay $0x4  }
0x15a: {  	[tilespmem:s4+$0xF288] =	vst v0  }
0x15b: {  	v0 =	vld [tilespmem:s0+$0xF298];
	_ =	sdelay $0x4  }
0x15c: {  	[tilespmem:s4+$0xF298] =	vst v0  }
0x15d: {  	v0 =	vld [tilespmem:s0+$0xF2A8];
	_ =	sdelay $0x4  }
0x15e: {  	s2 =	sadd.s32 $0x1, s2;
	[tilespmem:s4+$0xF2A8] =	vst v0  }
.LBB2_31:
0x15f: {  	s3 =	sadd.s32 $0x1, s3  }
0x160: {  	p0 =	sne.s32 s3, $0x20  }
.Ltmp18:
0x161: {  	_ = 	snop;
	(pc) =	sbr.rel @!p0 .LBB2_32-.Ltmp18, $1  }
0x162: {  	_ =	sdelay $0x3  }
.LBB2_24:
0x163: {  	v0 =	vld.msk [tilespmem:s3+$0xF218], $0x1;
	_ =	sdelay $0x4  }
0x164: {  	(v2sf) =	vpush v0, $0x0;
	_ =	sdelay $0xe  }
0x165: {  	s4 =	spop (v2sf)  }
0x166: {  	p0 =	seq.s32 s4, $0xFFFFFFFF  }
.Ltmp19:
0x167: {  	_ = 	snop;
	(pc) =	sbr.rel @p0 .LBB2_31-.Ltmp19, $1  }
0x168: {  	_ =	sdelay $0x3  }
0x169: {  	p0 =	slt.s32 s2, $0x1  }
.Ltmp20:
0x16a: {  	_ = 	snop;
	(pc) =	sbr.rel @p0 .LBB2_30-.Ltmp20, $1  }
0x16b: {  	_ =	sdelay $0x3  }
0x16c: {  	s5 =	simm.s32 $0xF218;
	p0 =	por $0x0, $0x0  }
0x16d: {  	v1 =	vld.msk @!p0 [tilespmem:s5+$0x0], $0x1;
	_ =	sdelay $0x4  }
0x16e: {  	(v2sf) =	vpush @!p0 v1, $0x0;
	_ =	sdelay $0xd  }
0x16f: {  	p2 =	sne.s32 s2, $0x1  }
.Ltmp21:
0x170: {  	s0 =	spop @!p0 (v2sf);
	(pc) =	sbr.rel @!p2 .LBB2_28-.Ltmp21, $4  }
0x171: {  	p1 =	seq.s32 @!p0 s4, s0  }
0x172: {  	s6 =	simm.s32 $0x0;
	p1 =	por !p1, p0  }
0x173: {  	s0 =	simm.s32 $0xFFFFFFFF;
	s6 =	simm.s32 @p1 $0xFFFFFFFF  }
0x174: {  	s7 =	simm.s32 $0x1;
	s6 =	smov.u32 @p0 s0  }
.LBB2_27:
0x175: {  	s0 =	smov.u32 s6;
	p0 =	sne.s32 s6, $0xFFFFFFFF  }
0x176: {  	s5 =	sadd.s32 $0x1, s5;
	s6 =	smov.u32 s7;
	s7 =	sadd.s32 $0x1, s7  }
0x177: {  	p1 =	sne.s32 s2, s7;
	v1 =	vld.msk @!p0 [tilespmem:s5+$0x0], $0x1;
	_ =	sdelay $0x4  }
0x178: {  	(v2sf) =	vpush @!p0 v1, $0x0;
	_ =	sdelay $0xe  }
.Ltmp22:
0x179: {  	s8 =	spop @!p0 (v2sf);
	(pc) =	sbr.rel @p1 .LBB2_27-.Ltmp22, $4  }
0x17a: {  	p2 =	seq.s32 @!p0 s4, s8  }
0x17b: {  	p2 =	por !p2, p0  }
0x17c: {  	s6 =	simm.s32 @p2 $0xFFFFFFFF  }
0x17d: {  	s6 =	smov.u32 @p0 s0  }
.LBB2_28:
0x17e: {  	p0 =	seq.s32 s6, $0xFFFFFFFF  }
.Ltmp23:
0x17f: {  	_ = 	snop;
	(pc) =	sbr.rel @p0 .LBB2_30-.Ltmp23, $1  }
0x180: {  	_ =	sdelay $0x3  }
0x181: {  	s0 =	sshll.u32 s3, $0x7  }
0x182: {  	s0 =	sand.u32 $0x3FFFFF80, s0  }
0x183: {  	v0 =	vld [tilespmem:s0+$0xF238];
	_ =	sdelay $0x2  }
0x184: {  	s4 =	sshll.u32 s6, $0x9  }
0x185: {  	s4 =	sshra.s32 s4, $0x2  }
0x186: {  	[tilespmem:s4+$0xF238] =	vst.add.f32.msk $0xffff, v0  }
0x187: {  	v0 =	vld [tilespmem:s0+$0xF248];
	_ =	sdelay $0x4  }
0x188: {  	[tilespmem:s4+$0xF248] =	vst.add.f32.msk $0xffff, v0  }
0x189: {  	v0 =	vld [tilespmem:s0+$0xF258];
	_ =	sdelay $0x4  }
0x18a: {  	[tilespmem:s4+$0xF258] =	vst.add.f32.msk $0xffff, v0  }
0x18b: {  	v0 =	vld [tilespmem:s0+$0xF268];
	_ =	sdelay $0x4  }
0x18c: {  	[tilespmem:s4+$0xF268] =	vst.add.f32.msk $0xffff, v0  }
0x18d: {  	v0 =	vld [tilespmem:s0+$0xF278];
	_ =	sdelay $0x4  }
0x18e: {  	[tilespmem:s4+$0xF278] =	vst.add.f32.msk $0xffff, v0  }
0x18f: {  	v0 =	vld [tilespmem:s0+$0xF288];
	_ =	sdelay $0x4  }
0x190: {  	[tilespmem:s4+$0xF288] =	vst.add.f32.msk $0xffff, v0  }
0x191: {  	v0 =	vld [tilespmem:s0+$0xF298];
	_ =	sdelay $0x4  }
0x192: {  	[tilespmem:s4+$0xF298] =	vst.add.f32.msk $0xffff, v0  }
0x193: {  	v0 =	vld [tilespmem:s0+$0xF2A8]  }
.Ltmp24:
0x194: {  	_ = 	snop;
	(pc) =	sbr.rel .LBB2_31-.Ltmp24, $2  }
0x195: {  	_ =	sdelay $0x2  }
0x196: {  	[tilespmem:s4+$0xF2A8] =	vst.add.f32.msk $0xffff, v0  }
.LBB2_32:
0x197: {  	p0 =	slt.s32 s2, $0x1  }
.Ltmp25:
0x198: {  	_ = 	snop;
	(pc) =	sbr.rel @p0 .LBB2_36-.Ltmp25, $3  }
0x199: {  	_ =	sdelay $0x1  }
0x19a: {  	s0 =	simm.s32 $0x6  }
0x19b: {  	s3 =	simm.s32 $0x0;
	[sflag:s0] =	ssyncpa.u1 $0x1  }
0x19c: {  	s0 =	simm.s32 $0xF218  }
0x19d: {  	v0 =	vld.msk [tilespmem:s0+$0x0], $0x1;
	_ =	sdelay $0x4  }
0x19e: {  	(v2sf) =	vpush v0, $0x0;
	_ =	sdelay $0xd  }
0x19f: {  	s2 =	sadd.s32 $0xFFFFFFFF, s2  }
0x1a0: {  	p1 =	sne.s32 s2, $0x0;
	s0 =	spop (v2sf)  }
.Ltmp26:
0x1a1: {  	p0 =	sgt.u32 s0, $0x270F0;
	(pc) =	sbr.rel @!p1 .LBB2_35-.Ltmp26, $4  }
0x1a2: {  	s4 =	simm.s32 $0xF238;
	s5 =	sand.u32 @!p0 $0x3FFF8, s0  }
0x1a3: {  	s6 =	simm.s32 $0x0;
	s0 =	sand.u32 @!p0 $0x7, s0;
	s5 =	sadd.s32 @!p0 s1, s5  }
0x1a4: {  	[hbm4b:s5+s0] =	stream.linear.scatter @!p0 [tilespmem:s4], [sflag:$0x5], $0x80, $0x38;
	[tilespmem:$0x1F6E8] =	vst v63  }
0x1a5: {  	s6 =	simm.s32 @!p0 $0x200;
	s5 =	simm.s32 $0xF219  }
.LBB2_34:
0x1a6: {  	v0 =	vld.msk [tilespmem:s5+$0x0], $0x1;
	s2 =	sadd.s32 $0xFFFFFFFF, s2;
	s3 =	sadd.s32 s3, s6  }
0x1a7: {  	p0 =	sne.s32 s2, $0x0;
	_ =	sdelay $0x3  }
0x1a8: {  	(v2sf) =	vpush v0, $0x0;
	_ =	sdelay $0xe  }
.Ltmp27:
0x1a9: {  	s0 =	spop (v2sf);
	(pc) =	sbr.rel @p0 .LBB2_34-.Ltmp27, $4  }
0x1aa: {  	s6 =	simm.s32 $0x0;
	p1 =	sgt.u32 s0, $0x270F0  }
0x1ab: {  	s4 =	sadd.s32 $0x80, s4;
	s6 =	simm.s32 @!p1 $0x200;
	s7 =	sand.u32 @!p1 $0x3FFF8, s0  }
0x1ac: {  	s5 =	sadd.s32 $0x1, s5;
	s0 =	sand.u32 @!p1 $0x7, s0;
	s7 =	sadd.s32 @!p1 s1, s7  }
0x1ad: {  	[hbm4b:s7+s0] =	stream.linear.scatter @!p1 [tilespmem:s4], [sflag:$0x5], $0x80, $0x38;
	[tilespmem:$0x1F6E8] =	vst v63  }
.LBB2_35:
0x1ae: {  	s0 =	sadd.s32 s3, s6  }
0x1af: {  	s3 =	sshrl.u32 s0, $0x2  }
.LBB2_36:
0x1b0: {  	s0 =	simm.s32 $0x5  }
0x1b1: {  	_ =	swait.ge [sflag:s0], s3  }
0x1b2: {  	s1 =	ssub.s32 $0x0, s3;
	[sflag:s0] =	ssyncset.done $0x0  }
0x1b3: {  	[sflag:s0] =	ssyncadd.s32 s1  }
0x1b4: {  	[sflag:s0] =	ssyncpa.u1 $0x1  }
0x1b5: {  	s30 =	simm.s32 $0x1;
	_ =	sfence  }
0x1b6: {  	[sflag:s30] =	ssyncpa.u1 $0x1  }
0x1b7: {  	_ =	strace $0x9000004A  }
0x1b8: {  	[bflag:$0x2] =	sbarrier.arrive $0xFFFF  }
0x1b9: {  	s31 =	rddreg [dreg:$0x2]  }
0x1ba: {  	s0 =	sadd.s32 $0x100000, s31  }
0x1bb: {  	[sflag:s0] =	ssyncadd.tile.s32 $0x1;
	_ =	shalt  }
.Lfunc_end2:
_tile_overlayer_lowered:
.L_overlay_start_2:
0x1bc: {  	(tag) =	ssettag $0x2  }
0x1bd: {  	s0 =	rddreg [dreg:$0x0];
	s2 =	stileid.u32  }
0x1be: {  	s1 =	rddreg [dreg:$0x1];
	p0 =	sne.s32 s2, $0x0  }
0x1bf: {  	s3 =	rddreg [dreg:$0x2];
	[bflag:$0x3] =	sbarrier.arrive $0xFFFF;
	s2 =	simm.s32 @!p0 $0x1C01  }
0x1c0: {  	[timem:s3], [sflag:s2] =	dma.local @!p0 [hbm:s0], s1  }
0x1c1: {  	s0 =	simm.s32 @!p0 $0x1  }
0x1c2: {  	_ =	swait.ge @!p0 [sflag:s0], s1  }
0x1c3: {  	s1 =	ssub.s32 @!p0 $0x0, s1;
	[sflag:s0] =	ssyncset.done @!p0 $0x0  }
0x1c4: {  	[sflag:s0] =	ssyncadd.s32 @!p0 s1  }
0x1c5: {  	[bflag:$0x3] =	sbarrier.arrive $0xFFFF  }
0x1c6: {  	_ =	shalt  }

</sc_bundles>
